<compile_context>
chip_gen: v7x
topology: tpu7x:2x2x1
jax: 0.10.2.dev20260603
libtpu: 0.0.44.dev20260713+nightly
codegen_flags: <defaults>
</compile_context>

<pallas_src>
import functools

import jax
import jax.numpy as jnp
from jax import lax
from jax.experimental import pallas as pl
from jax.experimental.pallas import tpu as pltpu
from jax.experimental.pallas import tpu_sc as plsc

T = 16
B, S, D = 2, 2048, 1024
NW = 32
R = 2
CW = R * D
ROWS_PER_W = (B * S) // NW
CHUNKS = ROWS_PER_W // R
VPC = CW // 16
NSEG = CW // 128


def _sc_body(x_hbm, out_hbm, xbuf0, xbuf1, ob0, ob1, st0, st1,
             isem0, isem1, osem0, osem1):
    wid = lax.axis_index("s") * 2 + lax.axis_index("c")
    row0 = wid * ROWS_PER_W

    iota = lax.iota(jnp.int32, 16)
    ones = jnp.full((16,), 1.0, jnp.float32)
    zeros = jnp.zeros((16,), jnp.float32)
    izeros = jnp.zeros((16,), jnp.int32)

    xbufs = (xbuf0, xbuf1)
    obufs = (ob0, ob1)
    stbufs = (st0, st1)
    isems = (isem0, isem1)
    osems = (osem0, osem1)

    @plsc.parallel_loop(0, T * CW // 16, unroll=4)
    def _zero(i):
        ob0[i >> 7, (i >> 3) & 15, pl.ds((i & 7) * 16, 16)] = zeros
        ob1[i >> 7, (i >> 3) & 15, pl.ds((i & 7) * 16, 16)] = zeros

    @plsc.parallel_loop(0, VPC, unroll=4)
    def _zero_st(i):
        st0[pl.ds(i * 16, 16)] = izeros
        st1[pl.ds(i * 16, 16)] = izeros

    for slot in range(2):
        pltpu.async_copy(
            x_hbm.at[pl.ds((row0 + slot * R) * D, CW)], xbufs[slot], isems[slot]
        )

    def outer(c2, _):
        for slot in range(2):
            xbuf, obuf, stbuf = xbufs[slot], obufs[slot], stbufs[slot]
            isem, osem = isems[slot], osems[slot]
            c = c2 * 2 + slot
            n0 = row0 + c * R
            b = n0 >> 11
            s0 = n0 & 2047

            pltpu.make_async_copy(x_hbm.at[pl.ds(0, CW)], xbuf, isem).wait()

            @pl.when(c2 >= 1)
            def _drain_out():
                pltpu.make_async_copy(
                    out_hbm.at[pl.ds(0, T), pl.ds(0, NSEG), :], obuf, osem
                ).wait()

            @plsc.parallel_loop(0, VPC, unroll=8)
            def _encode(i):
                rowv = jnp.broadcast_to((i >> 3) & 15, (16,)).astype(jnp.int32)
                lanev = (i & 7) * 16 + iota
                xv = xbuf[pl.ds(i * 16, 16)]
                e = jnp.exp(-jnp.abs(xv))
                sig = jnp.where(xv >= 0.0, 1.0, e) / (1.0 + e)
                stv = (sig * 15.0).astype(jnp.int32)
                old = stbuf[pl.ds(i * 16, 16)]
                clear = jnp.where(old == stv, 1.0, 0.0)
                plsc.store_scatter(obuf, [old, rowv, lanev], clear)
                plsc.store_scatter(obuf, [stv, rowv, lanev], ones)
                stbuf[pl.ds(i * 16, 16)] = stv

            @pl.when(c2 < CHUNKS // 2 - 1)
            def _prefetch():
                pltpu.async_copy(
                    x_hbm.at[pl.ds((n0 + 2 * R) * D, CW)], xbuf, isem
                )

            pltpu.async_copy(
                obuf,
                out_hbm.at[pl.ds(b * T, T), pl.ds(s0 * (D // 128), NSEG), :],
                osem,
            )
        return 0

    lax.fori_loop(0, CHUNKS // 2, outer, 0)

    for slot in range(2):
        pltpu.make_async_copy(
            out_hbm.at[pl.ds(0, T), pl.ds(0, NSEG), :], obufs[slot], osems[slot]
        ).wait()


@jax.jit
def _sc_encode(xf):
    k = functools.partial(
        pl.kernel,
        out_type=jax.ShapeDtypeStruct((B * T, S * D // 128, 128), jnp.float32),
        mesh=plsc.VectorSubcoreMesh(core_axis_name="c", subcore_axis_name="s"),
        compiler_params=pltpu.CompilerParams(needs_layout_passes=False),
        scratch_types=[
            pltpu.VMEM((CW,), jnp.float32),
            pltpu.VMEM((CW,), jnp.float32),
            pltpu.VMEM((T, NSEG, 128), jnp.float32),
            pltpu.VMEM((T, NSEG, 128), jnp.float32),
            pltpu.VMEM((CW,), jnp.int32),
            pltpu.VMEM((CW,), jnp.int32),
            pltpu.SemaphoreType.DMA,
            pltpu.SemaphoreType.DMA,
            pltpu.SemaphoreType.DMA,
            pltpu.SemaphoreType.DMA,
        ],
    )(_sc_body)
    return k(xf)


def kernel(x):
    xf = (
        x.reshape(B, S // 8, 8, D // 128, 128)
        .transpose(0, 1, 3, 2, 4)
        .reshape(-1)
    )
    out = _sc_encode(xf)
    return (
        out.reshape(B, T, S // 8, D // 128, 8, 128)
        .transpose(0, 1, 2, 4, 3, 5)
        .reshape(B, T, S, D)
    )

# --- scband reference (transcript-rebuilt; emitter-appended) ---
"""Pipeline reference for scband-temporal-encoder-10496900071677 (READ-ONLY COPY).

The authoritative reference and input builder live on the scoring server;
editing this copy changes nothing except your own understanding.
"""

import jax, jax.numpy as jnp
import numpy as np

TIME_STEPS = 16


def setup_inputs(seed: int = 0) -> dict:
    key = jax.random.key(seed)
    x = jax.random.normal(key, (2, 2048, 1024), dtype=jnp.float32)
    return {"x": x}


def reference(x):
    T = TIME_STEPS
    B, S, D = x.shape
    # spike_times = (sigmoid(x) * (T - 1)).long()  -> values in [0, T-1]
    spike_times = (jax.nn.sigmoid(x) * (T - 1)).astype(jnp.int32)  # [B, S, D]
    # torch scatter_(1, spike_times.unsqueeze(1), 1.0) on zeros[B, T, S, D]:
    # spikes[b, spike_times[b, s, d], s, d] = 1.0
    b_idx = jnp.arange(B)[:, None, None]
    s_idx = jnp.arange(S)[None, :, None]
    d_idx = jnp.arange(D)[None, None, :]
    spikes = jnp.zeros((B, T, S, D), dtype=jnp.float32)
    spikes = spikes.at[b_idx, spike_times, s_idx, d_idx].set(1.0)
    return spikes

if __name__ == "__main__":
    import jax
    _d = setup_inputs()
    print(jax.jit(kernel)(*tuple(_d.values())))

</pallas_src>

<mosaic_0001>
#map = affine_map<(d0, d1) -> (0)>
#map1 = affine_map<(d0, d1) -> (0, 0, 0)>
module attributes {stable_mosaic.version = 14 : i64} {
  func.func @_sc_body(%arg0: i32, %arg1: i32, %arg2: memref<4194304xf32, #tpu.memory_space<hbm>>, %arg3: memref<32x16384x128xf32, #tpu.memory_space<hbm>>, %arg4: memref<2048xf32, #tpu.memory_space<vmem>>, %arg5: memref<2048xf32, #tpu.memory_space<vmem>>, %arg6: memref<16x16x128xf32, #tpu.memory_space<vmem>>, %arg7: memref<16x16x128xf32, #tpu.memory_space<vmem>>, %arg8: memref<2048xi32, #tpu.memory_space<vmem>>, %arg9: memref<2048xi32, #tpu.memory_space<vmem>>, %arg10: memref<!tpu.dma_semaphore, #tpu.memory_space<semaphore_mem>>, %arg11: memref<!tpu.dma_semaphore, #tpu.memory_space<semaphore_mem>>, %arg12: memref<!tpu.dma_semaphore, #tpu.memory_space<semaphore_mem>>, %arg13: memref<!tpu.dma_semaphore, #tpu.memory_space<semaphore_mem>>) attributes {dimension_semantics = [#tpu.dimension_semantics<core_parallel>, #tpu.dimension_semantics<subcore_parallel>], iteration_bounds = array<i64: 2, 16>, scalar_prefetch = 0 : i64, scratch_operands = 10 : i64, tpu.core_type = #tpu.core_type<sc_vector_subcore>, window_params = [{transform_indices = #map}, {transform_indices = #map1}]} {
    %mul3A = arith.constant 2 : i32
    %mul3A_0 = arith.muli %arg1, %mul3A : i32
    %add3A = arith.addi %mul3A_0, %arg0 : i32
    %mul3A_1 = arith.constant 128 : i32
    %mul3A_2 = arith.muli %add3A, %mul3A_1 : i32
    %iota3A = tpu.iota {dimensions = array<i32: 0>} : vector<16xi32>
    %broadcast_in_dim3A = arith.constant 1.000000e+00 : f32
    %broadcast_in_dim3A_3 = vector.broadcast %broadcast_in_dim3A : f32 to vector<16xf32>
    %broadcast_in_dim3A_4 = arith.constant 0.000000e+00 : f32
    %broadcast_in_dim3A_5 = vector.broadcast %broadcast_in_dim3A_4 : f32 to vector<16xf32>
    %broadcast_in_dim3A_6 = arith.constant 0 : i32
    %broadcast_in_dim3A_7 = vector.broadcast %broadcast_in_dim3A_6 : i32 to vector<16xi32>
    %parallel_loop3A = arith.constant 0 : i32
    %parallel_loop3A_8 = arith.constant 2048 : i32
    %parallel_loop3A_9 = arith.constant 1 : i32
    scf.for %parallel_loop3A_45 = %parallel_loop3A to %parallel_loop3A_8 step %parallel_loop3A_9  : i32 {
      %parallel_loop3A_46 = arith.constant 7 : i32
      %parallel_loop3A_47 = arith.shrsi %parallel_loop3A_45, %parallel_loop3A_46 : i32
      %parallel_loop3A_48 = arith.constant 3 : i32
      %parallel_loop3A_49 = arith.shrsi %parallel_loop3A_45, %parallel_loop3A_48 : i32
      %parallel_loop3A_50 = arith.constant 15 : i32
      %parallel_loop3A_51 = arith.andi %parallel_loop3A_49, %parallel_loop3A_50 : i32
      %parallel_loop3A_52 = arith.constant 7 : i32
      %parallel_loop3A_53 = arith.andi %parallel_loop3A_45, %parallel_loop3A_52 : i32
      %parallel_loop3A_54 = arith.constant 16 : i32
      %parallel_loop3A_55 = arith.muli %parallel_loop3A_53, %parallel_loop3A_54 : i32
      %parallel_loop3A_56 = arith.index_cast %parallel_loop3A_47 : i32 to index
      %parallel_loop3A_57 = arith.index_cast %parallel_loop3A_51 : i32 to index
      %parallel_loop3A_58 = arith.index_cast %parallel_loop3A_55 : i32 to index
      %parallel_loop3A_59 = tpu.vector_load %arg6[%parallel_loop3A_56, %parallel_loop3A_57, %parallel_loop3A_58] {strides = array<i32>} : memref<16x16x128xf32, #tpu.memory_space<vmem>>, vector<16xf32>,
      tpu.vector_store %arg6[%parallel_loop3A_56, %parallel_loop3A_57, %parallel_loop3A_58], %broadcast_in_dim3A_5 {strides = array<i32>} : memref<16x16x128xf32, #tpu.memory_space<vmem>>, vector<16xf32>,
      %parallel_loop3A_60 = arith.constant 7 : i32
      %parallel_loop3A_61 = arith.shrsi %parallel_loop3A_45, %parallel_loop3A_60 : i32
      %parallel_loop3A_62 = arith.constant 3 : i32
      %parallel_loop3A_63 = arith.shrsi %parallel_loop3A_45, %parallel_loop3A_62 : i32
      %parallel_loop3A_64 = arith.constant 15 : i32
      %parallel_loop3A_65 = arith.andi %parallel_loop3A_63, %parallel_loop3A_64 : i32
      %parallel_loop3A_66 = arith.constant 7 : i32
      %parallel_loop3A_67 = arith.andi %parallel_loop3A_45, %parallel_loop3A_66 : i32
      %parallel_loop3A_68 = arith.constant 16 : i32
      %parallel_loop3A_69 = arith.muli %parallel_loop3A_67, %parallel_loop3A_68 : i32
      %parallel_loop3A_70 = arith.index_cast %parallel_loop3A_61 : i32 to index
      %parallel_loop3A_71 = arith.index_cast %parallel_loop3A_65 : i32 to index
      %parallel_loop3A_72 = arith.index_cast %parallel_loop3A_69 : i32 to index
      %parallel_loop3A_73 = tpu.vector_load %arg7[%parallel_loop3A_70, %parallel_loop3A_71, %parallel_loop3A_72] {strides = array<i32>} : memref<16x16x128xf32, #tpu.memory_space<vmem>>, vector<16xf32>,
      tpu.vector_store %arg7[%parallel_loop3A_70, %parallel_loop3A_71, %parallel_loop3A_72], %broadcast_in_dim3A_5 {strides = array<i32>} : memref<16x16x128xf32, #tpu.memory_space<vmem>>, vector<16xf32>,
    } {sc.loop_unroll_factor = 4 : i64, sc.parallel_access}
    %parallel_loop3A_10 = arith.constant 0 : i32
    %parallel_loop3A_11 = arith.constant 128 : i32
    %parallel_loop3A_12 = arith.constant 1 : i32
    scf.for %parallel_loop3A_45 = %parallel_loop3A_10 to %parallel_loop3A_11 step %parallel_loop3A_12  : i32 {
      %parallel_loop3A_46 = arith.constant 16 : i32
      %parallel_loop3A_47 = arith.muli %parallel_loop3A_45, %parallel_loop3A_46 : i32
      %parallel_loop3A_48 = arith.index_cast %parallel_loop3A_47 : i32 to index
      %parallel_loop3A_49 = tpu.vector_load %arg8[%parallel_loop3A_48] {strides = array<i32>} : memref<2048xi32, #tpu.memory_space<vmem>>, vector<16xi32>,
      tpu.vector_store %arg8[%parallel_loop3A_48], %broadcast_in_dim3A_7 {strides = array<i32>} : memref<2048xi32, #tpu.memory_space<vmem>>, vector<16xi32>,
      %parallel_loop3A_50 = arith.constant 16 : i32
      %parallel_loop3A_51 = arith.muli %parallel_loop3A_45, %parallel_loop3A_50 : i32
      %parallel_loop3A_52 = arith.index_cast %parallel_loop3A_51 : i32 to index
      %parallel_loop3A_53 = tpu.vector_load %arg9[%parallel_loop3A_52] {strides = array<i32>} : memref<2048xi32, #tpu.memory_space<vmem>>, vector<16xi32>,
      tpu.vector_store %arg9[%parallel_loop3A_52], %broadcast_in_dim3A_7 {strides = array<i32>} : memref<2048xi32, #tpu.memory_space<vmem>>, vector<16xi32>,
    } {sc.loop_unroll_factor = 4 : i64, sc.parallel_access}
    %add3A_13 = arith.constant 0 : i32
    %add3A_14 = arith.addi %mul3A_2, %add3A_13 : i32
    %mul3A_15 = arith.constant 1024 : i32
    %mul3A_16 = arith.muli %add3A_14, %mul3A_15 : i32
    %dma_start3A = tpu.memref_slice %arg2[%mul3A_16] : memref<4194304xf32, #tpu.memory_space<hbm>> -> memref<2048xf32, #tpu.memory_space<hbm>>
    %dma_start3A_17 = tpu.memref_slice %arg2[%mul3A_16] : memref<4194304xf32, #tpu.memory_space<hbm>> -> memref<2048xf32, #tpu.memory_space<hbm>>
    tpu.enqueue_dma source(%dma_start3A_17 : memref<2048xf32, #tpu.memory_space<hbm>>) target(%arg4 : memref<2048xf32, #tpu.memory_space<vmem>>) target_semaphore(%arg10 : memref<!tpu.dma_semaphore, #tpu.memory_space<semaphore_mem>>)
    %add3A_18 = arith.constant 2 : i32
    %add3A_19 = arith.addi %mul3A_2, %add3A_18 : i32
    %mul3A_20 = arith.constant 1024 : i32
    %mul3A_21 = arith.muli %add3A_19, %mul3A_20 : i32
    %dma_start3A_22 = tpu.memref_slice %arg2[%mul3A_21] : memref<4194304xf32, #tpu.memory_space<hbm>> -> memref<2048xf32, #tpu.memory_space<hbm>>
    %dma_start3A_23 = tpu.memref_slice %arg2[%mul3A_21] : memref<4194304xf32, #tpu.memory_space<hbm>> -> memref<2048xf32, #tpu.memory_space<hbm>>
    tpu.enqueue_dma source(%dma_start3A_23 : memref<2048xf32, #tpu.memory_space<hbm>>) target(%arg5 : memref<2048xf32, #tpu.memory_space<vmem>>) target_semaphore(%arg11 : memref<!tpu.dma_semaphore, #tpu.memory_space<semaphore_mem>>)
    %scan3A = arith.constant 0 : i32
    %scan3A_24 = arith.constant 0 : i32
    %scan3A_25 = arith.constant 32 : i32
    %scan3A_26 = arith.addi %scan3A_24, %scan3A_25 : i32
    %scan3A_27 = arith.constant 1 : i32
    %scan3A_28 = scf.for %scan3A_45 = %scan3A_24 to %scan3A_26 step %scan3A_27 iter_args(%scan3A_46 = %scan3A) -> (i32)  : i32 {
      %mul3A_47 = arith.constant 2 : i32
      %mul3A_48 = arith.muli %scan3A_45, %mul3A_47 : i32
      %add3A_49 = arith.constant 0 : i32
      %add3A_50 = arith.addi %mul3A_48, %add3A_49 : i32
      %mul3A_51 = arith.constant 2 : i32
      %mul3A_52 = arith.muli %add3A_50, %mul3A_51 : i32
      %add3A_53 = arith.addi %mul3A_2, %mul3A_52 : i32
      %shift_right_arithmetic3A = arith.constant 11 : i32
      %shift_right_arithmetic3A_54 = arith.shrsi %add3A_53, %shift_right_arithmetic3A : i32
      %and3A = arith.constant 2047 : i32
      %and3A_55 = arith.andi %add3A_53, %and3A : i32
      %dma_wait3A_56 = arith.constant 0 : i32
      %dma_wait3A_57 = tpu.memref_slice %arg2[%dma_wait3A_56] : memref<4194304xf32, #tpu.memory_space<hbm>> -> memref<2048xf32, #tpu.memory_space<hbm>>
      %dma_wait3A_58 = arith.constant 0 : i32
      %dma_wait3A_59 = tpu.memref_slice %arg2[%dma_wait3A_58] : memref<4194304xf32, #tpu.memory_space<hbm>> -> memref<2048xf32, #tpu.memory_space<hbm>>
      tpu.wait_dma2 semaphore(%arg10 : memref<!tpu.dma_semaphore, #tpu.memory_space<semaphore_mem>>) src(%dma_wait3A_59 : memref<2048xf32, #tpu.memory_space<hbm>>) dst(%arg4 : memref<2048xf32, #tpu.memory_space<vmem>>)
      %ge3A = arith.constant 1 : i32
      %ge3A_60 = arith.cmpi sge, %scan3A_45, %ge3A : i32
      %convert_element_type3A = arith.extui %ge3A_60 : i1 to i32
      %cond3A = arith.constant 0 : i32
      %cond3A_61 = arith.cmpi ne, %convert_element_type3A, %cond3A : i32
      scf.if %cond3A_61 {
        %dma_wait3A_114 = arith.constant 0 : i32
        %dma_wait3A_115 = arith.constant 0 : i32
        %dma_wait3A_116 = arith.constant 0 : i32
        %dma_wait3A_117 = tpu.memref_slice %arg3[%dma_wait3A_114, %dma_wait3A_115, %dma_wait3A_116] : memref<32x16384x128xf32, #tpu.memory_space<hbm>> -> memref<16x16x128xf32, #tpu.memory_space<hbm>>
        %dma_wait3A_118 = arith.constant 0 : i32
        %dma_wait3A_119 = arith.constant 0 : i32
        %dma_wait3A_120 = arith.constant 0 : i32
        %dma_wait3A_121 = tpu.memref_slice %arg3[%dma_wait3A_118, %dma_wait3A_119, %dma_wait3A_120] : memref<32x16384x128xf32, #tpu.memory_space<hbm>> -> memref<16x16x128xf32, #tpu.memory_space<hbm>>
        tpu.wait_dma2 semaphore(%arg12 : memref<!tpu.dma_semaphore, #tpu.memory_space<semaphore_mem>>) src(%dma_wait3A_121 : memref<16x16x128xf32, #tpu.memory_space<hbm>>) dst(%arg6 : memref<16x16x128xf32, #tpu.memory_space<vmem>>)
      } else {
      }
      %parallel_loop3A_62 = arith.constant 0 : i32
      %parallel_loop3A_63 = arith.constant 128 : i32
      %parallel_loop3A_64 = arith.constant 1 : i32
      scf.for %parallel_loop3A_114 = %parallel_loop3A_62 to %parallel_loop3A_63 step %parallel_loop3A_64  : i32 {
        %parallel_loop3A_115 = arith.constant 3 : i32
        %parallel_loop3A_116 = arith.shrsi %parallel_loop3A_114, %parallel_loop3A_115 : i32
        %parallel_loop3A_117 = arith.constant 15 : i32
        %parallel_loop3A_118 = arith.andi %parallel_loop3A_116, %parallel_loop3A_117 : i32
        %parallel_loop3A_119 = vector.broadcast %parallel_loop3A_118 : i32 to vector<16xi32>
        %parallel_loop3A_120 = arith.constant 7 : i32
        %parallel_loop3A_121 = arith.andi %parallel_loop3A_114, %parallel_loop3A_120 : i32
        %parallel_loop3A_122 = arith.constant 16 : i32
        %parallel_loop3A_123 = arith.muli %parallel_loop3A_121, %parallel_loop3A_122 : i32
        %parallel_loop3A_124 = vector.broadcast %parallel_loop3A_123 : i32 to vector<16xi32>
        %parallel_loop3A_125 = arith.addi %parallel_loop3A_124, %iota3A : vector<16xi32>
        %parallel_loop3A_126 = arith.constant 16 : i32
        %parallel_loop3A_127 = arith.muli %parallel_loop3A_114, %parallel_loop3A_126 : i32
        %parallel_loop3A_128 = arith.index_cast %parallel_loop3A_127 : i32 to index
        %parallel_loop3A_129 = tpu.vector_load %arg4[%parallel_loop3A_128] {strides = array<i32>} : memref<2048xf32, #tpu.memory_space<vmem>>, vector<16xf32>,
        %parallel_loop3A_130 = math.absf %parallel_loop3A_129 : vector<16xf32>
        %parallel_loop3A_131 = arith.constant 0.000000e+00 : f32
        %parallel_loop3A_132 = vector.broadcast %parallel_loop3A_131 : f32 to vector<16xf32>
        %parallel_loop3A_133 = arith.subf %parallel_loop3A_132, %parallel_loop3A_130 : vector<16xf32>
        %parallel_loop3A_134 = math.exp %parallel_loop3A_133 : vector<16xf32>
        %parallel_loop3A_135 = arith.constant 0.000000e+00 : f32
        %parallel_loop3A_136 = vector.broadcast %parallel_loop3A_135 : f32 to vector<16xf32>
        %parallel_loop3A_137 = arith.cmpf oge, %parallel_loop3A_129, %parallel_loop3A_136 : vector<16xf32>
        %parallel_loop3A_138 = arith.constant 1.000000e+00 : f32
        %parallel_loop3A_139 = vector.broadcast %parallel_loop3A_138 : f32 to vector<16xf32>
        %parallel_loop3A_140 = arith.select %parallel_loop3A_137, %parallel_loop3A_139, %parallel_loop3A_134 : vector<16xi1>, vector<16xf32>
        %parallel_loop3A_141 = arith.constant 1.000000e+00 : f32
        %parallel_loop3A_142 = vector.broadcast %parallel_loop3A_141 : f32 to vector<16xf32>
        %parallel_loop3A_143 = arith.addf %parallel_loop3A_142, %parallel_loop3A_134 : vector<16xf32>
        %parallel_loop3A_144 = arith.divf %parallel_loop3A_140, %parallel_loop3A_143 : vector<16xf32>
        %parallel_loop3A_145 = arith.constant 1.500000e+01 : f32
        %parallel_loop3A_146 = vector.broadcast %parallel_loop3A_145 : f32 to vector<16xf32>
        %parallel_loop3A_147 = arith.mulf %parallel_loop3A_144, %parallel_loop3A_146 : vector<16xf32>
        %parallel_loop3A_148 = arith.fptosi %parallel_loop3A_147 : vector<16xf32> to vector<16xi32>
        %parallel_loop3A_149 = arith.constant 16 : i32
        %parallel_loop3A_150 = arith.muli %parallel_loop3A_114, %parallel_loop3A_149 : i32
        %parallel_loop3A_151 = arith.index_cast %parallel_loop3A_150 : i32 to index
        %parallel_loop3A_152 = tpu.vector_load %arg8[%parallel_loop3A_151] {strides = array<i32>} : memref<2048xi32, #tpu.memory_space<vmem>>, vector<16xi32>,
        %parallel_loop3A_153 = arith.cmpi eq, %parallel_loop3A_152, %parallel_loop3A_148 : vector<16xi32>
        %parallel_loop3A_154 = arith.constant 1.000000e+00 : f32
        %parallel_loop3A_155 = arith.constant 0.000000e+00 : f32
        %parallel_loop3A_156 = vector.broadcast %parallel_loop3A_154 : f32 to vector<16xf32>
        %parallel_loop3A_157 = vector.broadcast %parallel_loop3A_155 : f32 to vector<16xf32>
        %parallel_loop3A_158 = arith.select %parallel_loop3A_153, %parallel_loop3A_156, %parallel_loop3A_157 : vector<16xi1>, vector<16xf32>
        tpu.vector_store_idx %arg6[%parallel_loop3A_152, %parallel_loop3A_119, %parallel_loop3A_125], %parallel_loop3A_158 : memref<16x16x128xf32, #tpu.memory_space<vmem>>[vector<16xi32>, vector<16xi32>, vector<16xi32>], vector<16xf32>,
        tpu.vector_store_idx %arg6[%parallel_loop3A_148, %parallel_loop3A_119, %parallel_loop3A_125], %broadcast_in_dim3A_3 : memref<16x16x128xf32, #tpu.memory_space<vmem>>[vector<16xi32>, vector<16xi32>, vector<16xi32>], vector<16xf32>,
        %parallel_loop3A_159 = arith.constant 16 : i32
        %parallel_loop3A_160 = arith.muli %parallel_loop3A_114, %parallel_loop3A_159 : i32
        %parallel_loop3A_161 = arith.index_cast %parallel_loop3A_160 : i32 to index
        %parallel_loop3A_162 = tpu.vector_load %arg8[%parallel_loop3A_161] {strides = array<i32>} : memref<2048xi32, #tpu.memory_space<vmem>>, vector<16xi32>,
        tpu.vector_store %arg8[%parallel_loop3A_161], %parallel_loop3A_148 {strides = array<i32>} : memref<2048xi32, #tpu.memory_space<vmem>>, vector<16xi32>,
      } {sc.loop_unroll_factor = 8 : i64, sc.parallel_access}
      %lt3A = arith.constant 31 : i32
      %lt3A_65 = arith.cmpi slt, %scan3A_45, %lt3A : i32
      %convert_element_type3A_66 = arith.extui %lt3A_65 : i1 to i32
      %cond3A_67 = arith.constant 0 : i32
      %cond3A_68 = arith.cmpi ne, %convert_element_type3A_66, %cond3A_67 : i32
      scf.if %cond3A_68 {
        %add3A_114 = arith.constant 4 : i32
        %add3A_115 = arith.addi %add3A_53, %add3A_114 : i32
        %mul3A_116 = arith.constant 1024 : i32
        %mul3A_117 = arith.muli %add3A_115, %mul3A_116 : i32
        %dma_start3A_118 = tpu.memref_slice %arg2[%mul3A_117] : memref<4194304xf32, #tpu.memory_space<hbm>> -> memref<2048xf32, #tpu.memory_space<hbm>>
        %dma_start3A_119 = tpu.memref_slice %arg2[%mul3A_117] : memref<4194304xf32, #tpu.memory_space<hbm>> -> memref<2048xf32, #tpu.memory_space<hbm>>
        tpu.enqueue_dma source(%dma_start3A_119 : memref<2048xf32, #tpu.memory_space<hbm>>) target(%arg4 : memref<2048xf32, #tpu.memory_space<vmem>>) target_semaphore(%arg10 : memref<!tpu.dma_semaphore, #tpu.memory_space<semaphore_mem>>)
      } else {
      }
      %mul3A_69 = arith.constant 16 : i32
      %mul3A_70 = arith.muli %shift_right_arithmetic3A_54, %mul3A_69 : i32
      %mul3A_71 = arith.constant 8 : i32
      %mul3A_72 = arith.muli %and3A_55, %mul3A_71 : i32
      %dma_start3A_73 = arith.constant 0 : i32
      %dma_start3A_74 = tpu.memref_slice %arg3[%mul3A_70, %mul3A_72, %dma_start3A_73] : memref<32x16384x128xf32, #tpu.memory_space<hbm>> -> memref<16x16x128xf32, #tpu.memory_space<hbm>>
      %dma_start3A_75 = arith.constant 0 : i32
      %dma_start3A_76 = tpu.memref_slice %arg3[%mul3A_70, %mul3A_72, %dma_start3A_75] : memref<32x16384x128xf32, #tpu.memory_space<hbm>> -> memref<16x16x128xf32, #tpu.memory_space<hbm>>
      tpu.enqueue_dma source(%arg6 : memref<16x16x128xf32, #tpu.memory_space<vmem>>) target(%dma_start3A_76 : memref<16x16x128xf32, #tpu.memory_space<hbm>>) target_semaphore(%arg12 : memref<!tpu.dma_semaphore, #tpu.memory_space<semaphore_mem>>)
      %mul3A_77 = arith.constant 2 : i32
      %mul3A_78 = arith.muli %scan3A_45, %mul3A_77 : i32
      %add3A_79 = arith.constant 1 : i32
      %add3A_80 = arith.addi %mul3A_78, %add3A_79 : i32
      %mul3A_81 = arith.constant 2 : i32
      %mul3A_82 = arith.muli %add3A_80, %mul3A_81 : i32
      %add3A_83 = arith.addi %mul3A_2, %mul3A_82 : i32
      %shift_right_arithmetic3A_84 = arith.constant 11 : i32
      %shift_right_arithmetic3A_85 = arith.shrsi %add3A_83, %shift_right_arithmetic3A_84 : i32
      %and3A_86 = arith.constant 2047 : i32
      %and3A_87 = arith.andi %add3A_83, %and3A_86 : i32
      %dma_wait3A_88 = arith.constant 0 : i32
      %dma_wait3A_89 = tpu.memref_slice %arg2[%dma_wait3A_88] : memref<4194304xf32, #tpu.memory_space<hbm>> -> memref<2048xf32, #tpu.memory_space<hbm>>
      %dma_wait3A_90 = arith.constant 0 : i32
      %dma_wait3A_91 = tpu.memref_slice %arg2[%dma_wait3A_90] : memref<4194304xf32, #tpu.memory_space<hbm>> -> memref<2048xf32, #tpu.memory_space<hbm>>
      tpu.wait_dma2 semaphore(%arg11 : memref<!tpu.dma_semaphore, #tpu.memory_space<semaphore_mem>>) src(%dma_wait3A_91 : memref<2048xf32, #tpu.memory_space<hbm>>) dst(%arg5 : memref<2048xf32, #tpu.memory_space<vmem>>)
      %ge3A_92 = arith.constant 1 : i32
      %ge3A_93 = arith.cmpi sge, %scan3A_45, %ge3A_92 : i32
      %convert_element_type3A_94 = arith.extui %ge3A_93 : i1 to i32
      %cond3A_95 = arith.constant 0 : i32
      %cond3A_96 = arith.cmpi ne, %convert_element_type3A_94, %cond3A_95 : i32
      scf.if %cond3A_96 {
        %dma_wait3A_114 = arith.constant 0 : i32
        %dma_wait3A_115 = arith.constant 0 : i32
        %dma_wait3A_116 = arith.constant 0 : i32
        %dma_wait3A_117 = tpu.memref_slice %arg3[%dma_wait3A_114, %dma_wait3A_115, %dma_wait3A_116] : memref<32x16384x128xf32, #tpu.memory_space<hbm>> -> memref<16x16x128xf32, #tpu.memory_space<hbm>>
        %dma_wait3A_118 = arith.constant 0 : i32
        %dma_wait3A_119 = arith.constant 0 : i32
        %dma_wait3A_120 = arith.constant 0 : i32
        %dma_wait3A_121 = tpu.memref_slice %arg3[%dma_wait3A_118, %dma_wait3A_119, %dma_wait3A_120] : memref<32x16384x128xf32, #tpu.memory_space<hbm>> -> memref<16x16x128xf32, #tpu.memory_space<hbm>>
        tpu.wait_dma2 semaphore(%arg13 : memref<!tpu.dma_semaphore, #tpu.memory_space<semaphore_mem>>) src(%dma_wait3A_121 : memref<16x16x128xf32, #tpu.memory_space<hbm>>) dst(%arg7 : memref<16x16x128xf32, #tpu.memory_space<vmem>>)
      } else {
      }
      %parallel_loop3A_97 = arith.constant 0 : i32
      %parallel_loop3A_98 = arith.constant 128 : i32
      %parallel_loop3A_99 = arith.constant 1 : i32
      scf.for %parallel_loop3A_114 = %parallel_loop3A_97 to %parallel_loop3A_98 step %parallel_loop3A_99  : i32 {
        %parallel_loop3A_115 = arith.constant 3 : i32
        %parallel_loop3A_116 = arith.shrsi %parallel_loop3A_114, %parallel_loop3A_115 : i32
        %parallel_loop3A_117 = arith.constant 15 : i32
        %parallel_loop3A_118 = arith.andi %parallel_loop3A_116, %parallel_loop3A_117 : i32
        %parallel_loop3A_119 = vector.broadcast %parallel_loop3A_118 : i32 to vector<16xi32>
        %parallel_loop3A_120 = arith.constant 7 : i32
        %parallel_loop3A_121 = arith.andi %parallel_loop3A_114, %parallel_loop3A_120 : i32
        %parallel_loop3A_122 = arith.constant 16 : i32
        %parallel_loop3A_123 = arith.muli %parallel_loop3A_121, %parallel_loop3A_122 : i32
        %parallel_loop3A_124 = vector.broadcast %parallel_loop3A_123 : i32 to vector<16xi32>
        %parallel_loop3A_125 = arith.addi %parallel_loop3A_124, %iota3A : vector<16xi32>
        %parallel_loop3A_126 = arith.constant 16 : i32
        %parallel_loop3A_127 = arith.muli %parallel_loop3A_114, %parallel_loop3A_126 : i32
        %parallel_loop3A_128 = arith.index_cast %parallel_loop3A_127 : i32 to index
        %parallel_loop3A_129 = tpu.vector_load %arg5[%parallel_loop3A_128] {strides = array<i32>} : memref<2048xf32, #tpu.memory_space<vmem>>, vector<16xf32>,
        %parallel_loop3A_130 = math.absf %parallel_loop3A_129 : vector<16xf32>
        %parallel_loop3A_131 = arith.constant 0.000000e+00 : f32
        %parallel_loop3A_132 = vector.broadcast %parallel_loop3A_131 : f32 to vector<16xf32>
        %parallel_loop3A_133 = arith.subf %parallel_loop3A_132, %parallel_loop3A_130 : vector<16xf32>
        %parallel_loop3A_134 = math.exp %parallel_loop3A_133 : vector<16xf32>
        %parallel_loop3A_135 = arith.constant 0.000000e+00 : f32
        %parallel_loop3A_136 = vector.broadcast %parallel_loop3A_135 : f32 to vector<16xf32>
        %parallel_loop3A_137 = arith.cmpf oge, %parallel_loop3A_129, %parallel_loop3A_136 : vector<16xf32>
        %parallel_loop3A_138 = arith.constant 1.000000e+00 : f32
        %parallel_loop3A_139 = vector.broadcast %parallel_loop3A_138 : f32 to vector<16xf32>
        %parallel_loop3A_140 = arith.select %parallel_loop3A_137, %parallel_loop3A_139, %parallel_loop3A_134 : vector<16xi1>, vector<16xf32>
        %parallel_loop3A_141 = arith.constant 1.000000e+00 : f32
        %parallel_loop3A_142 = vector.broadcast %parallel_loop3A_141 : f32 to vector<16xf32>
        %parallel_loop3A_143 = arith.addf %parallel_loop3A_142, %parallel_loop3A_134 : vector<16xf32>
        %parallel_loop3A_144 = arith.divf %parallel_loop3A_140, %parallel_loop3A_143 : vector<16xf32>
        %parallel_loop3A_145 = arith.constant 1.500000e+01 : f32
        %parallel_loop3A_146 = vector.broadcast %parallel_loop3A_145 : f32 to vector<16xf32>
        %parallel_loop3A_147 = arith.mulf %parallel_loop3A_144, %parallel_loop3A_146 : vector<16xf32>
        %parallel_loop3A_148 = arith.fptosi %parallel_loop3A_147 : vector<16xf32> to vector<16xi32>
        %parallel_loop3A_149 = arith.constant 16 : i32
        %parallel_loop3A_150 = arith.muli %parallel_loop3A_114, %parallel_loop3A_149 : i32
        %parallel_loop3A_151 = arith.index_cast %parallel_loop3A_150 : i32 to index
        %parallel_loop3A_152 = tpu.vector_load %arg9[%parallel_loop3A_151] {strides = array<i32>} : memref<2048xi32, #tpu.memory_space<vmem>>, vector<16xi32>,
        %parallel_loop3A_153 = arith.cmpi eq, %parallel_loop3A_152, %parallel_loop3A_148 : vector<16xi32>
        %parallel_loop3A_154 = arith.constant 1.000000e+00 : f32
        %parallel_loop3A_155 = arith.constant 0.000000e+00 : f32
        %parallel_loop3A_156 = vector.broadcast %parallel_loop3A_154 : f32 to vector<16xf32>
        %parallel_loop3A_157 = vector.broadcast %parallel_loop3A_155 : f32 to vector<16xf32>
        %parallel_loop3A_158 = arith.select %parallel_loop3A_153, %parallel_loop3A_156, %parallel_loop3A_157 : vector<16xi1>, vector<16xf32>
        tpu.vector_store_idx %arg7[%parallel_loop3A_152, %parallel_loop3A_119, %parallel_loop3A_125], %parallel_loop3A_158 : memref<16x16x128xf32, #tpu.memory_space<vmem>>[vector<16xi32>, vector<16xi32>, vector<16xi32>], vector<16xf32>,
        tpu.vector_store_idx %arg7[%parallel_loop3A_148, %parallel_loop3A_119, %parallel_loop3A_125], %broadcast_in_dim3A_3 : memref<16x16x128xf32, #tpu.memory_space<vmem>>[vector<16xi32>, vector<16xi32>, vector<16xi32>], vector<16xf32>,
        %parallel_loop3A_159 = arith.constant 16 : i32
        %parallel_loop3A_160 = arith.muli %parallel_loop3A_114, %parallel_loop3A_159 : i32
        %parallel_loop3A_161 = arith.index_cast %parallel_loop3A_160 : i32 to index
        %parallel_loop3A_162 = tpu.vector_load %arg9[%parallel_loop3A_161] {strides = array<i32>} : memref<2048xi32, #tpu.memory_space<vmem>>, vector<16xi32>,
        tpu.vector_store %arg9[%parallel_loop3A_161], %parallel_loop3A_148 {strides = array<i32>} : memref<2048xi32, #tpu.memory_space<vmem>>, vector<16xi32>,
      } {sc.loop_unroll_factor = 8 : i64, sc.parallel_access}
      %lt3A_100 = arith.constant 31 : i32
      %lt3A_101 = arith.cmpi slt, %scan3A_45, %lt3A_100 : i32
      %convert_element_type3A_102 = arith.extui %lt3A_101 : i1 to i32
      %cond3A_103 = arith.constant 0 : i32
      %cond3A_104 = arith.cmpi ne, %convert_element_type3A_102, %cond3A_103 : i32
      scf.if %cond3A_104 {
        %add3A_114 = arith.constant 4 : i32
        %add3A_115 = arith.addi %add3A_83, %add3A_114 : i32
        %mul3A_116 = arith.constant 1024 : i32
        %mul3A_117 = arith.muli %add3A_115, %mul3A_116 : i32
        %dma_start3A_118 = tpu.memref_slice %arg2[%mul3A_117] : memref<4194304xf32, #tpu.memory_space<hbm>> -> memref<2048xf32, #tpu.memory_space<hbm>>
        %dma_start3A_119 = tpu.memref_slice %arg2[%mul3A_117] : memref<4194304xf32, #tpu.memory_space<hbm>> -> memref<2048xf32, #tpu.memory_space<hbm>>
        tpu.enqueue_dma source(%dma_start3A_119 : memref<2048xf32, #tpu.memory_space<hbm>>) target(%arg5 : memref<2048xf32, #tpu.memory_space<vmem>>) target_semaphore(%arg11 : memref<!tpu.dma_semaphore, #tpu.memory_space<semaphore_mem>>)
      } else {
      }
      %mul3A_105 = arith.constant 16 : i32
      %mul3A_106 = arith.muli %shift_right_arithmetic3A_85, %mul3A_105 : i32
      %mul3A_107 = arith.constant 8 : i32
      %mul3A_108 = arith.muli %and3A_87, %mul3A_107 : i32
      %dma_start3A_109 = arith.constant 0 : i32
      %dma_start3A_110 = tpu.memref_slice %arg3[%mul3A_106, %mul3A_108, %dma_start3A_109] : memref<32x16384x128xf32, #tpu.memory_space<hbm>> -> memref<16x16x128xf32, #tpu.memory_space<hbm>>
      %dma_start3A_111 = arith.constant 0 : i32
      %dma_start3A_112 = tpu.memref_slice %arg3[%mul3A_106, %mul3A_108, %dma_start3A_111] : memref<32x16384x128xf32, #tpu.memory_space<hbm>> -> memref<16x16x128xf32, #tpu.memory_space<hbm>>
      tpu.enqueue_dma source(%arg7 : memref<16x16x128xf32, #tpu.memory_space<vmem>>) target(%dma_start3A_112 : memref<16x16x128xf32, #tpu.memory_space<hbm>>) target_semaphore(%arg13 : memref<!tpu.dma_semaphore, #tpu.memory_space<semaphore_mem>>)
      %scan3A_113 = arith.constant 0 : i32
      scf.yield %scan3A_113 : i32
    }
    %scan3A_29 = arith.constant 32 : i32
    %dma_wait3A = arith.constant 0 : i32
    %dma_wait3A_30 = arith.constant 0 : i32
    %dma_wait3A_31 = arith.constant 0 : i32
    %dma_wait3A_32 = tpu.memref_slice %arg3[%dma_wait3A, %dma_wait3A_30, %dma_wait3A_31] : memref<32x16384x128xf32, #tpu.memory_space<hbm>> -> memref<16x16x128xf32, #tpu.memory_space<hbm>>
    %dma_wait3A_33 = arith.constant 0 : i32
    %dma_wait3A_34 = arith.constant 0 : i32
    %dma_wait3A_35 = arith.constant 0 : i32
    %dma_wait3A_36 = tpu.memref_slice %arg3[%dma_wait3A_33, %dma_wait3A_34, %dma_wait3A_35] : memref<32x16384x128xf32, #tpu.memory_space<hbm>> -> memref<16x16x128xf32, #tpu.memory_space<hbm>>
    tpu.wait_dma2 semaphore(%arg12 : memref<!tpu.dma_semaphore, #tpu.memory_space<semaphore_mem>>) src(%dma_wait3A_36 : memref<16x16x128xf32, #tpu.memory_space<hbm>>) dst(%arg6 : memref<16x16x128xf32, #tpu.memory_space<vmem>>)
    %dma_wait3A_37 = arith.constant 0 : i32
    %dma_wait3A_38 = arith.constant 0 : i32
    %dma_wait3A_39 = arith.constant 0 : i32
    %dma_wait3A_40 = tpu.memref_slice %arg3[%dma_wait3A_37, %dma_wait3A_38, %dma_wait3A_39] : memref<32x16384x128xf32, #tpu.memory_space<hbm>> -> memref<16x16x128xf32, #tpu.memory_space<hbm>>
    %dma_wait3A_41 = arith.constant 0 : i32
    %dma_wait3A_42 = arith.constant 0 : i32
    %dma_wait3A_43 = arith.constant 0 : i32
    %dma_wait3A_44 = tpu.memref_slice %arg3[%dma_wait3A_41, %dma_wait3A_42, %dma_wait3A_43] : memref<32x16384x128xf32, #tpu.memory_space<hbm>> -> memref<16x16x128xf32, #tpu.memory_space<hbm>>
    tpu.wait_dma2 semaphore(%arg13 : memref<!tpu.dma_semaphore, #tpu.memory_space<semaphore_mem>>) src(%dma_wait3A_44 : memref<16x16x128xf32, #tpu.memory_space<hbm>>) dst(%arg7 : memref<16x16x128xf32, #tpu.memory_space<vmem>>)
    return
  }
}

</mosaic_0001>

<sc_bundles>
// kernel: _sc_encode.3.cloned.1.call-start
scs
__scs_entry_jumppad:
0x0: {  	(pc) =	sbr.rel $0x88, $3  }
0x1: {  	(tag) =	ssettag $0x0;
	lr =	simm.s32 $0x1  }
0x2: {  	[smem:$0x3FA0] =	sst lr;
	_ =	strace $0xD0000000  }
0x3: {  	_ = 	snop  }
0x4: {  	_ = 	snop  }
0x5: {  	_ = 	snop  }
0x6: {  	_ = 	snop  }
0x7: {  	_ = 	snop  }
__scs_overlays_trampoline_lowered:
0x8: {  	[smem:$0x3FAF] =	sst s0  }
0x9: {  	[smem:$0x3FB0] =	sst s1  }
0xa: {  	[smem:$0x3FB1] =	sst s2  }
0xb: {  	[smem:$0x3FB2] =	sst s3  }
0xc: {  	[smem:$0x3FB3] =	sst s4  }
0xd: {  	[smem:$0x3FB4] =	sst s5  }
0xe: {  	[smem:$0x3FB5] =	sst s6  }
0xf: {  	[smem:$0x3FB6] =	sst s7  }
0x10: {  	[smem:$0x3FB7] =	sst s8  }
0x11: {  	[smem:$0x3FB8] =	sst s9;
	s0 =	simm.s32 @!p0 $0x0  }
0x12: {  	s1 =	sld [smem:$0x3F9E];
	s0 =	simm.s32 @p0 $0x1  }
0x13: {  	[smem:$0x3FB9] =	sst s0;
	s0 =	simm.s32 @!p1 $0x0  }
0x14: {  	s2 =	sld [smem:$0x3F9D];
	s0 =	simm.s32 @p1 $0x1  }
0x15: {  	[smem:$0x3FBA] =	sst s0;
	s0 =	simm.s32 @!p2 $0x0  }
0x16: {  	s3 =	sld [smem:$0x3FDB];
	s0 =	simm.s32 @p2 $0x1  }
0x17: {  	s4 =	simm.s32 $0x1BF5;
	[smem:$0x3FBC] =	sst s0  }
0x18: {  	s0 =	sld [smem:$0x3F9F];
	_ =	swait.ge [sflag:s4], $0x0  }
0x19: {  	s7 =	sld [smem:$0x3FA0]  }
0x1a: {  	s8 =	sadd.s32 $0xFFFFE003, lr  }
0x1b: {  	s9 =	sadd.s32 $0xFFFFFEF7, lr;
	s5 =	simm.s32 $0xFFFFFFFF;
	p2 =	slt.u32 s8, $0xFFFFF086  }
0x1c: {  	p1 =	slt.u32 s9, $0xF7A;
	s5 =	simm.s32 @!p2 $0x0  }
0x1d: {  	s5 =	simm.s32 @p1 $0x1;
	p0 =	seq.s32 s7, s2  }
0x1e: {  	s7 =	smul.u32 @!p0 $0xF7A, s2;
	p2 =	seq.s32 @!p0 s5, $0x0  }
0x1f: {  	s9 =	smul.u32 $0xF7A, s1;
	s8 =	simm.s32 @!p0 $0x1BF5;
	p2 =	por !p2, p0  }
0x20: {  	[sflag:s8] =	ssyncset.s32 @!p0 $0xFFFFF086;
	s6 =	sadd.s32 @!p0 s3, s7;
	s7 =	simm.s32 @!p0 $0x108  }
0x21: {  	s3 =	sadd.s32 s3, s9;
	s6 =	sadd.s32 @!p0 $0x88, s6;
	s7 =	simm.s32 @p2 $0x1082  }
0x22: {  	[simem:s7], [sflag:s8] =	dma.local @!p0 [hbm:s6], $0xF7A  }
0x23: {  	s9 =	sor.u32 $0xD0000000, s2;
	s6 =	simm.s32 $0x108;
	_ =	swait.ge @!p0 [sflag:s8], $0x0  }
0x24: {  	s3 =	sadd.s32 $0x88, s3;
	s6 =	simm.s32 @!p1 $0x1082;
	[sflag:s4] =	ssyncset.s32 $0xFFFFF086  }
0x25: {  	[simem:s6], [sflag:s4] =	dma.local [hbm:s3], $0xF7A  }
0x26: {  	[smem:$0x3FA0] =	sst s1;
	(tag) =	ssettag s2;
	_ =	strace s9  }
0x27: {  	s1 =	sld [smem:$0x3FB0]  }
0x28: {  	s2 =	sld [smem:$0x3FB1]  }
0x29: {  	s4 =	sld [smem:$0x3FB3]  }
0x2a: {  	p0 =	seq.s32 s5, $0x0;
	s5 =	sld [smem:$0x3FB4]  }
0x2b: {  	s6 =	sld [smem:$0x3FB5]  }
0x2c: {  	s7 =	sld [smem:$0x3FB6]  }
0x2d: {  	s3 =	simm.s32 $0x108;
	s8 =	sld [smem:$0x3FB7]  }
0x2e: {  	s3 =	simm.s32 @!p0 $0x1082;
	s9 =	sld [smem:$0x3FB8]  }
0x2f: {  	lr =	sadd.s32 s0, s3;
	s0 =	sld [smem:$0x3FAF]  }
0x30: {  	s3 =	sld [smem:$0x3FB2]  }
0x31: {  	[smem:$0x3FBB] =	sst s10  }
0x32: {  	s10 =	sld [smem:$0x3FB9];
	_ =	sdelay $0x3  }
0x33: {  	p0 =	seq.s32 s10, $0x1;
	s10 =	sld [smem:$0x3FBB];
	_ =	sdelay $0x3  }
0x34: {  	[smem:$0x3FBB] =	sst s10  }
0x35: {  	s10 =	sld [smem:$0x3FBA];
	_ =	sdelay $0x3  }
0x36: {  	p1 =	seq.s32 s10, $0x1;
	s10 =	sld [smem:$0x3FBB];
	_ =	sdelay $0x3  }
0x37: {  	[smem:$0x3FBB] =	sst s10  }
0x38: {  	s10 =	sld [smem:$0x3FBC]  }
0x39: {  	_ = 	snop;
	(pc) =	sbr.ind lr, $3  }
0x3a: {  	_ = 	snop  }
0x3b: {  	_ = 	snop  }
0x3c: {  	p2 =	seq.s32 s10, $0x1;
	s10 =	sld [smem:$0x3FBB]  }
0x3d: {  	_ =	shalt  }
0x3e: {  	_ =	shalt  }
0x3f: {  	_ =	shalt  }
0x40: {  	_ =	shalt  }
0x41: {  	_ =	shalt  }
0x42: {  	_ =	shalt  }
0x43: {  	_ =	shalt  }
0x44: {  	_ =	shalt  }
0x45: {  	_ =	shalt  }
0x46: {  	_ =	shalt  }
0x47: {  	_ =	shalt  }
0x48: {  	_ =	shalt  }
0x49: {  	_ =	shalt  }
0x4a: {  	_ =	shalt  }
0x4b: {  	_ =	shalt  }
0x4c: {  	_ =	shalt  }
0x4d: {  	_ =	shalt  }
0x4e: {  	_ =	shalt  }
0x4f: {  	_ =	shalt  }
0x50: {  	_ =	shalt  }
0x51: {  	_ =	shalt  }
0x52: {  	_ =	shalt  }
0x53: {  	_ =	shalt  }
0x54: {  	_ =	shalt  }
0x55: {  	_ =	shalt  }
0x56: {  	_ =	shalt  }
0x57: {  	_ =	shalt  }
0x58: {  	_ =	shalt  }
0x59: {  	_ =	shalt  }
0x5a: {  	_ =	shalt  }
0x5b: {  	_ =	shalt  }
0x5c: {  	_ =	shalt  }
0x5d: {  	_ =	shalt  }
0x5e: {  	_ =	shalt  }
0x5f: {  	_ =	shalt  }
0x60: {  	_ =	shalt  }
0x61: {  	_ =	shalt  }
0x62: {  	_ =	shalt  }
0x63: {  	_ =	shalt  }
0x64: {  	_ =	shalt  }
0x65: {  	_ =	shalt  }
0x66: {  	_ =	shalt  }
0x67: {  	_ =	shalt  }
0x68: {  	_ =	shalt  }
0x69: {  	_ =	shalt  }
0x6a: {  	_ =	shalt  }
0x6b: {  	_ =	shalt  }
0x6c: {  	_ =	shalt  }
0x6d: {  	_ =	shalt  }
0x6e: {  	_ =	shalt  }
0x6f: {  	_ =	shalt  }
0x70: {  	_ =	shalt  }
0x71: {  	_ =	shalt  }
0x72: {  	_ =	shalt  }
0x73: {  	_ =	shalt  }
0x74: {  	_ =	shalt  }
0x75: {  	_ =	shalt  }
0x76: {  	_ =	shalt  }
0x77: {  	_ =	shalt  }
0x78: {  	_ =	shalt  }
0x79: {  	_ =	shalt  }
0x7a: {  	_ =	shalt  }
0x7b: {  	_ =	shalt  }
0x7c: {  	_ =	shalt  }
0x7d: {  	_ =	shalt  }
0x7e: {  	_ =	shalt  }
0x7f: {  	_ =	shalt  }
0x80: {  	_ =	shalt  }
0x81: {  	_ =	shalt  }
0x82: {  	_ =	shalt  }
0x83: {  	_ =	shalt  }
0x84: {  	_ =	shalt  }
0x85: {  	_ =	shalt  }
0x86: {  	_ =	shalt  }
0x87: {  	_ =	shalt  }
.Lfunc_end0:
.L_simem_size_0:
called_computation_lowered:
.L_overlay_start_0:
0x88: {  	s2 =	sld [smem:$0x3FD9]  }
0x89: {  	s3 =	sld [smem:$0x3FFE];
	_ =	sdelay $0x1  }
0x8a: {  	s1 =	srdreg.scid  }
0x8b: {  	s0 =	sand.u32 $0x1, s1  }
0x8c: {  	s18 =	sshll.u32 s0, $0xA;
	s2 =	sadd.s32 s3, s2  }
0x8d: {  	s2 =	sadd.s32 s2, s18  }
0x8e: {  	[smem:$0x3FC7] =	sst s2  }
0x8f: {  	_ = 	snop  }
0x90: {  	s2 =	sld [smem:$0x3FC9]  }
0x91: {  	s19 =	sld [smem:$0x3FD0];
	(tm) =	ssettm $0x1  }
0x92: {  	s4 =	sld [smem:$0x3FFB];
	_ =	sdelay $0x3  }
0x93: {  	_ =	strace s4  }
0x94: {  	s4 =	sld [smem:$0x3FFC];
	_ =	sdelay $0x3  }
0x95: {  	_ =	strace s4  }
0x96: {  	s4 =	sld [smem:$0x3FFD];
	_ =	sdelay $0x3  }
0x97: {  	_ =	strace s4  }
0x98: {  	_ =	strace $0x8FFFFFFF  }
0x99: {  	s20 =	sld [smem:$0x3FDB];
	_ =	sdelay $0x1  }
0x9a: {  	s5 =	simm.s32 $_scs_section_size  }
0x9b: {  	s6 =	simm.s32 $_size__tile_overlayer_lowered;
	s7 =	simm.s32 $_tile_overlayer_lowered  }
0x9c: {  	s23 =	simm.s32 $0x1BFF;
	s22 =	sshll.u32 s7, $0x1;
	s4 =	sadd.s32 s5, s20  }
0x9d: {  	s8 =	simm.s32 $0x0;
	s21 =	sshll.u32 s6, $0x1;
	s6 =	sadd.s32 s22, s4  }
0x9e: {  	[timem:s8], [sflag:s23] =	dma.local [hbm:s6], s21  }
0x9f: {  	_ =	swait.ge [sflag:s23], s21  }
0xa0: {  	s5 =	ssub.s32 $0x0, s21;
	[sflag:s23] =	ssyncset.done $0x0  }
0xa1: {  	[sflag:s23] =	ssyncadd.s32 s5;
	_ =	sdelay $0x1  }
0xa2: {  	s24 =	simm.s32 $0x1B8B  }
0xa3: {  	_ =	swait.ge [sflag:s24], $0x1  }
0xa4: {  	[sflag:s24] =	ssyncset.done $0x0  }
0xa5: {  	s25 =	simm.s32 $0x1B8E;
	[sflag:s24] =	ssyncadd.s32 $0xFFFFFFFF  }
0xa6: {  	s26 =	simm.s32 $execute0_lowered;
	[smem:$0x3FD2] =	sst s25  }
0xa7: {  	s5 =	sshll.u32 s26, $0x1;
	_ =	strace $0x80000046;
	[dreg:$0x1] =	wrdreg $0xFFFFFFFF  }
0xa8: {  	s28 =	simm.s32 $_size_execute0_lowered;
	s4 =	sadd.s32 s4, s5;
	[dreg:$0x0] =	wrdreg $0x0  }
0xa9: {  	s5 =	sshll.u32 s28, $0x1;
	[dreg:$0x2] =	wrdreg s4  }
0xaa: {  	[dreg:$0x3] =	wrdreg s5  }
0xab: {  	[dreg:$0x4] =	wrdreg $0xC0  }
0xac: {  	_ =	task [dreg:s8], $0x5FFFF  }
0xad: {  	[dreg:$0x1] =	wrdreg $0xFFFFFFFF  }
0xae: {  	[dreg:$0x0] =	wrdreg $0x60  }
0xaf: {  	[dreg:$0x2] =	wrdreg s2  }
0xb0: {  	[dreg:$0x3] =	wrdreg s19  }
0xb1: {  	[dreg:$0x4] =	wrdreg $0x9  }
0xb2: {  	_ =	task.clear_ibuf [dreg:s8], $0x5FFFF;
	_ =	strace $0x90000046  }
0xb3: {  	s29 =	simm.s32 $0x9;
	_ =	strace $0x80000048  }
0xb4: {  	_ =	swait.ge [sflag:s29], $0x1  }
0xb5: {  	[sflag:s29] =	ssyncadd.s32 $0xFFFFFFFF  }
0xb6: {  	_ =	strace $0x90000048  }
0xb7: {  	_ =	sfence  }
0xb8: {  	s30 =	sld [smem:$0x0];
	_ =	sdelay $0x2  }
0xb9: {  	s31 =	sshll.u32 s1, $0xD;
	s1 =	sshrl.u32 s1, $0x2  }
0xba: {  	s3 =	sand.u32 $0x4000, s31;
	s1 =	sadd.s32 s1, s30  }
0xbb: {  	s0 =	sor.u32 s3, s0;
	s1 =	sshll.u32 s1, $0x11  }
0xbc: {  	s0 =	sor.u32 s1, s0  }
0xbd: {  	s0 =	sadd.s32 $0x8F2B, s0  }
0xbe: {  	[sflag:s0] =	ssyncadd.remote.s32 $0x1  }
0xbf: {  	_ =	sfence.sel $0xFFFF  }
0xc0: {  	[dreg:$0x0] =	wrdreg $0xFFFFFFFF;
	(pc) =	sbr.abs _section_cstart, $3  }
0xc1: {  	[dreg:$0x1] =	wrdreg $0xFFFFFFFF  }
0xc2: {  	_ =	task.clear_ibuf [dreg:s8], $0x2FFFF;
	_ =	strace $0x9FFFFFFF  }
0xc3: {  	(tm) =	ssettm $0x7FFFFFFF  }
tec
execute0_lowered:
.L_overlay_start_1:
0x0: {  	(tag) =	ssettag $0x1  }
0x1: {  	s6 =	rddreg [dreg:$0x0]  }
0x2: {  	s7 =	rddreg [dreg:$0x1]  }
0x3: {  	s0 =	rddreg [dreg:$0x2]  }
0x4: {  	s2 =	simm.s32 $0x0;
	s3 =	srdreg.scid;
	s1 =	stileid.u32  }
0x5: {  	s10 =	simm.s32 $0x1;
	s11 =	simm.s32 $0x1000;
	s12 =	simm.s32 $0x200000  }
0x6: {  	s13 =	simm.s32 $0x2;
	s14 =	simm.s32 $0x9000;
	s15 =	simm.s32 $0x3  }
0x7: {  	s16 =	simm.s32 $0x4;
	[smem:$0x7FF] =	sst s2;
	s3 =	sand.u32 $0x1, s3  }
0x8: {  	s5 =	sshll.u32 s1, $0xF;
	s31 =	sshll.u32 s1, $0x13;
	_ =	strace $0x80000047  }
0x9: {  	v0 =	vimm.f32 $0.0e+00;
	v53 =	vlaneseq.u32;
	s4 =	ssub.s32 $0x2, s3;
	s3 =	sshll.u32 s3, $0xE;
	s9 =	sand.u32 $0x400000, s31  }
0xa: {  	v1 =	vimm.s32 $0x0;
	v3 =	vimm.f32 $1.000000000e+00;
	v62 =	vor.u32 $0x10, v53;
	s8 =	sshrl.u32 s4, $0x1;
	s3 =	sor.u32 s3, s5;
	s7 =	sadd.s32 s7, s9  }
0xb: {  	v6 =	vor.u32 $0x20, v53;
	v7 =	vor.u32 $0x30, v53;
	v8 =	vor.u32 $0x40, v53;
	[tilespmem:$0x1FFE0] =	vst v62;
	s9 =	simm.s32 $0x800;
	s8 =	ssub.s32 s4, s8;
	s4 =	sadd.s32 s6, s3  }
0xc: {  	v63 =	vor.u32 $0x50, v53;
	v9 =	vor.u32 $0x60, v53;
	v10 =	vor.u32 $0x70, v53;
	[tilespmem:$0x1FFF0] =	vst v7;
	s6 =	sadd.s32 $0x200, s6;
	s5 =	sadd.s32 $0x100, s4;
	s8 =	smax.u32 s8, $0x1  }
.LBB2_1:
0xd: {  	s18 =	simm.s32 $0x1020  }
0xe: {  	[tilespmem:s18+$0xFFFFFFF0] =	vst v0  }
0xf: {  	[tilespmem:s18+$0xFFFFFFE0] =	vst v0  }
0x10: {  	[tilespmem:s18+$0x0] =	vst v0  }
0x11: {  	s19 =	simm.s32 $0x9020;
	[tilespmem:s18+$0x10] =	vst v0  }
0x12: {  	[tilespmem:s19+$0xFFFFFFE0] =	vst v0  }
0x13: {  	[tilespmem:s19+$0x10] =	vst v0  }
0x14: {  	s21 =	simm.s32 $0x0;
	s17 =	simm.s32 $0x11820;
	s20 =	simm.s32 $0x11020;
	[tilespmem:s19+$0x0] =	vst v0  }
.LBB2_2:
0x15: {  	s21 =	sadd.s32 $0x4, s21;
	[tilespmem:s19+$0xFFFFFFF0] =	vst v0;
	s18 =	sadd.s32 $0x40, s18;
	s19 =	sadd.s32 $0x40, s19  }
0x16: {  	[tilespmem:s18+$0xFFFFFFF0] =	vst v0;
	p0 =	slt.u32 s21, $0x7FC  }
0x17: {  	[tilespmem:s18+$0xFFFFFFE0] =	vst v0  }
.Ltmp0:
0x18: {  	[tilespmem:s19+$0xFFFFFFE0] =	vst v0;
	(pc) =	sbr.rel @p0 .LBB2_2-.Ltmp0, $4  }
0x19: {  	[tilespmem:s18+$0x0] =	vst v0  }
0x1a: {  	[tilespmem:s18+$0x10] =	vst v0  }
0x1b: {  	[tilespmem:s19+$0x10] =	vst v0  }
0x1c: {  	[tilespmem:s19+$0x0] =	vst v0  }
0x1d: {  	[tilespmem:s19+$0xFFFFFFF0] =	vst v0  }
0x1e: {  	[tilespmem:s20+$0xFFFFFFF0] =	vst v1  }
0x1f: {  	[tilespmem:s20+$0x0] =	vst v1  }
0x20: {  	[tilespmem:s20+$0x10] =	vst v1  }
0x21: {  	[tilespmem:s20+$0xFFFFFFE0] =	vst v1  }
0x22: {  	[tilespmem:s17+$0xFFFFFFF0] =	vst v1  }
0x23: {  	[tilespmem:s17+$0x0] =	vst v1  }
0x24: {  	[tilespmem:s17+$0x10] =	vst v1  }
0x25: {  	s18 =	simm.s32 $0x0;
	s19 =	simm.s32 $0x11060;
	[tilespmem:s17+$0xFFFFFFE0] =	vst v1  }
.LBB2_4:
0x26: {  	[tilespmem:s19+$0xFFFFFFF0] =	vst v1;
	s17 =	sadd.s32 $0x40, s17  }
0x27: {  	s18 =	sadd.s32 $0x4, s18;
	[tilespmem:s17+$0xFFFFFFF0] =	vst v1  }
0x28: {  	p0 =	slt.u32 s18, $0x7C;
	[tilespmem:s19+$0x0] =	vst v1  }
.Ltmp1:
0x29: {  	[tilespmem:s17+$0x0] =	vst v1;
	(pc) =	sbr.rel @p0 .LBB2_4-.Ltmp1, $4  }
0x2a: {  	[tilespmem:s19+$0x10] =	vst v1  }
0x2b: {  	[tilespmem:s17+$0x10] =	vst v1  }
0x2c: {  	[tilespmem:s19+$0xFFFFFFE0] =	vst v1  }
0x2d: {  	s19 =	sadd.s32 $0x40, s19;
	[tilespmem:s17+$0xFFFFFFE0] =	vst v1  }
0x2e: {  	s17 =	simm.s32 $0x0  }
0x2f: {  	[tilespmem:s17], [sflag:$0x1] =	stream.linear.gather [hbm4b:s4+s17], $0x800, $0x38;
	[tilespmem:$0x12000] =	vst v63  }
0x30: {  	_ = 	snop  }
0x31: {  	[tilespmem:s9], [sflag:$0x2] =	stream.linear.gather [hbm4b:s5+s17], $0x800, $0x38;
	[tilespmem:$0x12000] =	vst v63  }
.LBB2_6:
0x32: {  	_ =	swait.ge [sflag:s10], $0x800  }
0x33: {  	p0 =	seq.s32 s17, $0x0;
	[sflag:s10] =	ssyncset.done $0x0  }
0x34: {  	s18 =	simm.s32 @!p0 $0x3;
	[sflag:s10] =	ssyncadd.s32 $0xFFFFF800  }
0x35: {  	_ =	swait.ge @!p0 [sflag:s18], $0x8000  }
0x36: {  	[sflag:s18] =	ssyncset.done @!p0 $0x0  }
0x37: {  	s29 =	simm.s32 $0x40;
	[sflag:s18] =	ssyncadd.s32 @!p0 $0xFFFF8000  }
0x38: {  	v11 =	vld [tilespmem:s29+$0xFFFFFFD0]  }
0x39: {  	v12 =	vld [tilespmem:s29+$0x30]  }
0x3a: {  	v13 =	vld [tilespmem:s29+$0xFFFFFFE0];
	_ =	sdelay $0x2  }
0x3b: {  	v14 =	vand.u32 $0x7FFFFFFF, v11  }
0x3c: {  	v15 =	vand.u32 $0x7FFFFFFF, v12;
	v14 =	vsub.f32 $0.0e+00, v14  }
0x3d: {  	v16 =	vand.u32 $0x7FFFFFFF, v13;
	v15 =	vsub.f32 $0.0e+00, v15  }
0x3e: {  	s19 =	simm.s32 $0x11040;
	v16 =	vsub.f32 $0.0e+00, v16;
	v14 =	vmul.f32 $1.442695020e+00, v14  }
0x3f: {  	v18 =	vld [tilespmem:s19+$0x20];
	v15 =	vmul.f32 $1.442695020e+00, v15  }
0x40: {  	v26 =	vld [tilespmem:s29+$0xFFFFFFF0];
	(erf) = vpow2.f32 v14;
	v14 =	vmul.f32 $1.442695020e+00, v16  }
0x41: {  	v16 =	vld [tilespmem:s29+$0x0];
	(erf) = vpow2.f32 v15  }
0x42: {  	v15 =	vld [tilespmem:s29+$0xFFFFFFC0];
	(erf) = vpow2.f32 v14  }
0x43: {  	v37 =	vld [tilespmem:s19+$0x0]  }
0x44: {  	v27 =	vld [tilespmem:s29+$0x20]  }
0x45: {  	v14 =	vld [tilespmem:s29+$0x10]  }
0x46: {  	v5 =	vlaneseq.u32;
	v17 =	vand.u32 $0x7FFFFFFF, v16  }
0x47: {  	v28 =	vand.u32 $0x7FFFFFFF, v26;
	v19 =	vand.u32 $0x7FFFFFFF, v15;
	v17 =	vsub.f32 $0.0e+00, v17  }
0x48: {  	v33 =	vshll.u32 v18, $0xB;
	v41 =	vshll.u32 v37, $0xB;
	v19 =	vsub.f32 $0.0e+00, v19  }
0x49: {  	vm0 =	vge.f32 v11, $0.0e+00;
	vm2 =	vge.f32 v27, $0.0e+00;
	v17 =	vmul.f32 $1.442695020e+00, v17;
	v22 =	vpop (erf)  }
0x4a: {  	vm3 =	vge.f32 v26, $0.0e+00;
	v21 =	vand.u32 $0x7FFFFFFF, v14;
	v19 =	vmul.f32 $1.442695020e+00, v19;
	v31 =	vpop (erf)  }
0x4b: {  	s23 =	simm.s32 $0x0;
	v20 =	vld [tilespmem:s19+$0xFFFFFFC0];
	v24 =	vsub.f32 $0.0e+00, v21;
	v25 =	vadd.f32 $1.000000000e+00, v22;
	(erf) = vpow2.f32 v17;
	v32 =	vpop (erf)  }
0x4c: {  	v33 =	vadd.s32 s23, v33;
	(erf) = vpow2.f32 v19;
	v17 =	vadd.f32 $1.000000000e+00, v32  }
0x4d: {  	v21 =	vld [tilespmem:s19+$0xFFFFFFF0];
	v24 =	vmul.f32 $1.442695020e+00, v24;
	v45 =	vsel vm0, $0x3F800000, v22;
	(erf) = vrcp.f32 v25  }
0x4e: {  	v35 =	vld [tilespmem:s19+$0xFFFFFFE0];
	v25 =	vand.u32 $0x7FFFFFFF, v27;
	(erf) = vrcp.f32 v17;
	v17 =	vsub.f32 $0.0e+00, v28  }
0x4f: {  	vm0 =	vge.f32 v12, $0.0e+00;
	v19 =	vld [tilespmem:s19+$0xFFFFFFD0];
	v28 =	vsub.f32 $0.0e+00, v25;
	(erf) = vpow2.f32 v24  }
0x50: {  	v23 =	vld [tilespmem:s19+$0x30];
	v12 =	vsel vm0, $0x3F800000, v31;
	v24 =	vshll.u32 v20, $0xB;
	v17 =	vmul.f32 $1.442695020e+00, v17  }
0x51: {  	vm0 =	vge.f32 v13, $0.0e+00;
	v34 =	vadd.s32 s23, v24;
	v24 =	vmul.f32 $1.442695020e+00, v28  }
0x52: {  	vm1 =	vge.f32 v14, $0.0e+00;
	v27 =	vsel vm0, $0x3F800000, v32;
	v30 =	vshll.u32 v21, $0xB  }
0x53: {  	vm0 =	vge.f32 v16, $0.0e+00;
	v25 =	vld [tilespmem:s19+$0x10];
	v38 =	vadd.s32 s23, v30;
	(erf) = vpow2.f32 v24  }
0x54: {  	v30 =	vshll.u32 v35, $0xB;
	v29 =	vshll.u32 v19, $0xB;
	(erf) = vpow2.f32 v17;
	v17 =	vpop (erf)  }
0x55: {  	s30 =	simm.s32 $0xC0;
	v22 =	vor.u32 v7, v38;
	v28 =	vshll.u32 v23, $0xB;
	v36 =	vadd.s32 s23, v29;
	v39 =	vpop (erf)  }
0x56: {  	v29 =	vadd.f32 $1.000000000e+00, v31;
	v42 =	vadd.s32 s23, v28;
	v28 =	vadd.s32 s23, v41;
	v41 =	vld [tilespmem:s30+$0xFFFFFFE0];
	v43 =	vpop (erf)  }
0x57: {  	v31 =	vor.u32 v53, v34;
	v34 =	vld [tilespmem:s30+$0xFFFFFFC0];
	v28 =	vor.u32 v8, v28;
	v40 =	vadd.f32 $1.000000000e+00, v17;
	v60 =	vpop (erf)  }
0x58: {  	v24 =	vshll.u32 v25, $0xB;
	(erf) = vrcp.f32 v29;
	v61 =	vadd.f32 $1.000000000e+00, v39;
	v44 =	vpop (erf)  }
0x59: {  	v29 =	vadd.s32 s23, v30;
	(erf) = vrcp.f32 v40;
	v11 =	vadd.f32 $1.000000000e+00, v44  }
0x5a: {  	v24 =	vadd.s32 s23, v24;
	v30 =	vor.u32 v6, v29;
	(erf) = vrcp.f32 v61  }
0x5b: {  	v29 =	vor.u32 v63, v24;
	v24 =	vor.u32 v62, v36;
	v40 =	vld [tilespmem:s30+$0xFFFFFFD0];
	(erf) = vrcp.f32 v11  }
0x5c: {  	v53 =	vand.u32 $0x7FFFFFFF, v41;
	v57 =	vand.u32 $0x7FFFFFFF, v34;
	v46 =	vmul.f32 v43, v45;
	v62 =	vpop (erf)  }
0x5d: {  	vm7 =	vge.f32 v41, $0.0e+00;
	vm15 =	vge.f32 v34, $0.0e+00;
	v11 =	vadd.f32 $1.000000000e+00, v62;
	v13 =	vpop (erf)  }
0x5e: {  	v14 =	vsel vm1, $0x3F800000, v44;
	v32 =	vmul.f32 $1.500000000e+01, v46;
	v26 =	vadd.f32 $1.000000000e+00, v13  }
0x5f: {  	(erf) = vrcp.f32 v11;
	v11 =	vsel vm0, $0x3F800000, v17;
	v17 =	vmul.f32 v60, v27  }
0x60: {  	v46 =	vld [tilespmem:s30+$0x0];
	v44 =	vsub.f32 $0.0e+00, v53;
	v48 =	vsel vm2, $0x3F800000, v62;
	v51 =	vand.u32 $0x7FFFFFFF, v40  }
0x61: {  	vm4 =	vge.f32 v40, $0.0e+00;
	v16 =	vpop (erf);
	vm0 =	vge.f32 v15, $0.0e+00;
	v15 =	vmul.f32 $1.500000000e+01, v17  }
0x62: {  	v12 =	vmul.f32 v16, v12;
	(erf) = vrcp.f32 v26;
	v17 =	vsel vm0, $0x3F800000, v39;
	v39 =	vld [tilespmem:s30+$0x30];
	v26 =	vpop (erf)  }
0x63: {  	v27 =	vsel vm3, $0x3F800000, v13;
	v26 =	vmul.f32 v26, v11;
	v47 =	vpop (erf);
	v15 =	vtrunc.f32 v15  }
0x64: {  	v13 =	vor.u32 v10, v42;
	v17 =	vmul.f32 v47, v17;
	v36 =	vcvt.f32.s32 v15;
	v49 =	vpop (erf)  }
0x65: {  	s20 =	simm.s32 $0x110C0;
	v16 =	vand.u32 $0x7FFFFFFF, v46;
	v26 =	vmul.f32 $1.500000000e+01, v26;
	v15 =	vmul.f32 v49, v14  }
0x66: {  	vm14 =	vge.f32 v46, $0.0e+00;
	v11 =	vld [tilespmem:s20+$0x20];
	v50 =	vmul.f32 $1.500000000e+01, v17;
	v14 =	vtrunc.f32 v32  }
0x67: {  	v17 =	vor.u32 v9, v33;
	v52 =	vand.u32 $0x7FFFFFFF, v39;
	v32 =	vsub.f32 $0.0e+00, v51  }
0x68: {  	v47 =	vshll.u32 v36, $0xB;
	vm0 =	veq.s32 v35, v36;
	vm12 =	vge.f32 v39, $0.0e+00  }
0x69: {  	v33 =	vcvt.f32.s32 v14;
	v26 =	vtrunc.f32 v26;
	v43 =	vsub.f32 $0.0e+00, v52  }
0x6a: {  	v47 =	vadd.s32 s23, v47;
	v42 =	vtrunc.f32 v50;
	v32 =	vmul.f32 $1.442695020e+00, v32  }
0x6b: {  	v14 =	vshll.u32 v11, $0xB;
	v15 =	vmul.f32 $1.500000000e+01, v15;
	v38 =	vcvt.f32.s32 v26  }
0x6c: {  	v54 =	vpop (erf);
	v26 =	vmul.f32 $1.500000000e+01, v12;
	v12 =	vsub.f32 $0.0e+00, v16;
	v50 =	vsel vm0, $0x3F800000, v0  }
0x6d: {  	v45 =	vld [tilespmem:s30+$0x20];
	v47 =	vor.u32 v6, v47;
	v55 =	vmul.f32 v54, v48;
	v56 =	vmul.f32 $1.442695020e+00, v43  }
0x6e: {  	vm2 =	veq.s32 v19, v33;
	v19 =	vmul.f32 $1.442695020e+00, v44;
	v48 =	vpop (erf);
	(erf) = vpow2.f32 v32  }
0x6f: {  	v49 =	vshll.u32 v33, $0xB;
	v27 =	vmul.f32 v48, v27;
	(erf) = vpow2.f32 v56  }
0x70: {  	v43 =	vld [tilespmem:s30+$0xFFFFFFF0];
	v44 =	vsub.f32 $0.0e+00, v57;
	v52 =	vmul.f32 $1.442695020e+00, v12;
	(erf) = vpow2.f32 v19  }
0x71: {  	v32 =	vld [tilespmem:s30+$0x10];
	vm1 =	veq.s32 v37, v38;
	v15 =	vtrunc.f32 v15;
	v26 =	vtrunc.f32 v26  }
0x72: {  	v35 =	vmul.f32 $1.500000000e+01, v55;
	v56 =	vcvt.f32.s32 v15;
	v19 =	vand.u32 $0x7FFFFFFF, v45  }
0x73: {  	v12 =	vld [tilespmem:s20+$0x30];
	v44 =	vmul.f32 $1.442695020e+00, v44;
	v26 =	vcvt.f32.s32 v26;
	v51 =	vsub.f32 $0.0e+00, v19  }
0x74: {  	v15 =	vld [tilespmem:s20+$0xFFFFFFF0];
	v19 =	vshll.u32 v38, $0xB;
	(erf) = vpow2.f32 v52;
	vm3 =	veq.s32 v25, v56  }
0x75: {  	vm0 =	veq.s32 v23, v26;
	v16 =	vand.u32 $0x7FFFFFFF, v43;
	v19 =	vadd.s32 s23, v19  }
0x76: {  	(erf) = vpow2.f32 v44;
	v58 =	vand.u32 $0x7FFFFFFF, v32;
	v54 =	vor.u32 v8, v19;
	v19 =	vld [tilespmem:s20+$0xFFFFFFD0]  }
0x77: {  	v39 =	vsel vm3, $0x3F800000, v0;
	vm3 =	vge.f32 v43, $0.0e+00;
	v59 =	vsub.f32 $0.0e+00, v16;
	v53 =	vpop (erf)  }
0x78: {  	v16 =	vld [tilespmem:s20+$0xFFFFFFC0];
	v51 =	vmul.f32 $1.442695020e+00, v51;
	v52 =	vshll.u32 v12, $0xB;
	vm5 =	vge.f32 v32, $0.0e+00;
	v55 =	vpop (erf)  }
0x79: {  	s21 =	simm.s32 $0x80;
	v37 =	vsub.f32 $0.0e+00, v58;
	v62 =	vshll.u32 v15, $0xB;
	v57 =	vadd.f32 $1.000000000e+00, v53;
	v58 =	vpop (erf)  }
0x7a: {  	v48 =	vmul.f32 $1.442695020e+00, v59;
	v59 =	vadd.s32 s21, v62;
	v60 =	vadd.f32 $1.000000000e+00, v58  }
0x7b: {  	v37 =	vmul.f32 $1.442695020e+00, v37;
	v25 =	vshll.u32 v19, $0xB;
	(erf) = vrcp.f32 v57  }
0x7c: {  	v57 =	vadd.s32 s21, v25;
	v25 =	vtrunc.f32 v35;
	(erf) = vrcp.f32 v60  }
0x7d: {  	v61 =	vshll.u32 v16, $0xB;
	v35 =	vmul.f32 $1.500000000e+01, v27;
	v27 =	vld [tilespmem:s20+$0xFFFFFFE0];
	(erf) = vpow2.f32 v37  }
0x7e: {  	v40 =	vsel vm4, $0x3F800000, v53;
	v32 =	vcvt.f32.s32 v25;
	(erf) = vpow2.f32 v51  }
0x7f: {  	v23 =	vadd.f32 $1.000000000e+00, v55;
	v35 =	vtrunc.f32 v35;
	(erf) = vpow2.f32 v48  }
0x80: {  	v60 =	vcvt.f32.s32 v42;
	v42 =	vsel vm1, $0x3F800000, v0;
	v35 =	vcvt.f32.s32 v35  }
0x81: {  	v4 =	vmovc v63;
	v1 =	vld [tilespmem:$0x1FFE0];
	vm1 =	vge.f32 v45, $0.0e+00;
	v45 =	vsel vm2, $0x3F800000, v0;
	vm2 =	veq.s32 v18, v32  }
0x82: {  	[tilespmem:v30+s11+$0x0] =	vst.idx.msk $0xffff, v50;
	v25 =	vld [tilespmem:s20+$0x0];
	vm6 =	veq.s32 v20, v60;
	v48 =	vpop (erf);
	v18 =	vshll.u32 v27, $0xB;
	vm13 =	veq.s32 v21, v35  }
0x83: {  	[tilespmem:v28+s11+$0x0] =	vst.idx.msk $0xffff, v42;
	v20 =	vld [tilespmem:s20+$0x10];
	v53 =	vpop (erf);
	v37 =	vadd.f32 $1.000000000e+00, v48;
	v28 =	vsel vm13, $0x3F800000, v0;
	v18 =	vadd.s32 s21, v18  }
0x84: {  	v44 =	vadd.s32 s21, v61;
	v51 =	vshll.u32 v26, $0xB;
	v2 =	vld [tilespmem:$0x1FFF0];
	[tilespmem:v22+s11+$0x0] =	vst.idx.msk $0xffff, v28;
	v28 =	vor.u32 v6, v18;
	v41 =	vpop (erf)  }
0x85: {  	v18 =	vadd.s32 s23, v49;
	v61 =	vpop (erf);
	(erf) = vrcp.f32 v23;
	v23 =	vadd.f32 $1.000000000e+00, v53  }
0x86: {  	[tilespmem:v24+s11+$0x0] =	vst.idx.msk $0xffff, v45;
	v45 =	vadd.s32 s21, v52;
	v52 =	vor.u32 v1, v18;
	v43 =	vpop (erf);
	(erf) = vrcp.f32 v37  }
0x87: {  	[tilespmem:v29+s11+$0x0] =	vst.idx.msk $0xffff, v39;
	v62 =	vadd.f32 $1.000000000e+00, v43;
	v37 =	vpop (erf);
	(erf) = vrcp.f32 v23;
	v23 =	vsel vm6, $0x3F800000, v0  }
0x88: {  	v29 =	vshll.u32 v20, $0xB;
	v63 =	vadd.f32 $1.000000000e+00, v37;
	v30 =	vpop (erf);
	[tilespmem:v31+s11+$0x0] =	vst.idx.msk $0xffff, v23;
	v23 =	vshll.u32 v25, $0xB  }
0x89: {  	(erf) = vrcp.f32 v62;
	v21 =	vadd.f32 $1.000000000e+00, v30;
	v22 =	vadd.s32 s21, v23  }
0x8a: {  	(erf) = vrcp.f32 v63;
	v23 =	vor.u32 v8, v22;
	v22 =	vshll.u32 v60, $0xB  }
0x8b: {  	[tilespmem:v47+s11+$0x0] =	vst.idx.msk $0xffff, v3;
	(erf) = vrcp.f32 v21;
	v21 =	vshll.u32 v56, $0xB;
	v18 =	vadd.s32 s23, v22  }
0x8c: {  	[tilespmem:v54+s11+$0x0] =	vst.idx.msk $0xffff, v3;
	v63 =	vsel vm7, $0x3F800000, v58;
	v21 =	vadd.s32 s23, v21;
	v58 =	vor.u32 v5, v18  }
0x8d: {  	v29 =	vadd.s32 s21, v29;
	v39 =	vsel vm5, $0x3F800000, v43;
	[tilespmem:v52+s11+$0x0] =	vst.idx.msk $0xffff, v3;
	v24 =	vor.u32 v4, v21  }
0x8e: {  	v43 =	vsel vm15, $0x3F800000, v53;
	v31 =	vsel vm12, $0x3F800000, v55;
	[tilespmem:s19+$0xFFFFFFD0] =	vst v33;
	v33 =	vor.u32 v10, v45  }
0x8f: {  	[tilespmem:s19+$0xFFFFFFE0] =	vst v36;
	v50 =	vmul.f32 v61, v63;
	v21 =	vor.u32 v4, v29;
	v29 =	vshll.u32 v35, $0xB  }
0x90: {  	v7 =	vmovc v4;
	[tilespmem:s19+$0x0] =	vst v38;
	v22 =	vadd.s32 s23, v51;
	v18 =	vor.u32 v2, v59;
	v59 =	vadd.s32 s23, v29  }
0x91: {  	v61 =	vsel vm14, $0x3F800000, v48;
	v29 =	vmul.f32 v41, v40;
	v41 =	vor.u32 v2, v59;
	[tilespmem:v58+s11+$0x0] =	vst.idx.msk $0xffff, v3  }
0x92: {  	v63 =	vshll.u32 v32, $0xB;
	v36 =	vor.u32 v10, v22;
	v22 =	vor.u32 v1, v57;
	v42 =	vpop (erf);
	[tilespmem:v24+s11+$0x0] =	vst.idx.msk $0xffff, v3  }
0x93: {  	s31 =	sshll.u32 s17, $0x9;
	s22 =	simm.s32 $0x8;
	s24 =	simm.s32 $0x11140;
	v45 =	vmul.f32 $1.500000000e+01, v50;
	v40 =	vsel vm3, $0x3F800000, v30;
	v30 =	vadd.s32 s23, v63;
	v62 =	vpop (erf);
	[tilespmem:s19+$0xFFFFFFC0] =	vst v60  }
0x94: {  	s25 =	simm.s32 $0x140;
	s18 =	sor.u32 s3, s31;
	s23 =	simm.s32 $0x1;
	v34 =	vor.u32 v9, v30;
	v24 =	vor.u32 v5, v44;
	v44 =	vmul.f32 v62, v61;
	[tilespmem:s19+$0x10] =	vst v56  }
.LBB2_7:
0x95: {  	v38 =	vld [tilespmem:s25+$0xFFFFFFD0];
	v46 =	vsel vm1, $0x3F800000, v37  }
0x96: {  	[tilespmem:v41+s11+$0x0] =	vst.idx.msk $0xffff, v3;
	v53 =	vsel vm2, $0x3F800000, v0;
	v30 =	vld [tilespmem:s24+$0x20];
	v31 =	vmul.f32 v42, v31;
	v54 =	vmul.f32 $1.500000000e+01, v29  }
0x97: {  	v14 =	vadd.s32 s21, v14;
	v37 =	vld [tilespmem:s25+$0x30];
	v44 =	vmul.f32 $1.500000000e+01, v44;
	[tilespmem:v17+s11+$0x0] =	vst.idx.msk $0xffff, v53;
	v45 =	vtrunc.f32 v45  }
0x98: {  	v17 =	vsel vm0, $0x3F800000, v0;
	[tilespmem:s19+$0xFFFFFFF0] =	vst v35;
	v45 =	vcvt.f32.s32 v45;
	v31 =	vmul.f32 $1.500000000e+01, v31  }
0x99: {  	v35 =	vld [tilespmem:s25+$0x10];
	[tilespmem:v13+s11+$0x0] =	vst.idx.msk $0xffff, v17;
	v13 =	vmovc v33;
	v17 =	vor.u32 v9, v14;
	v55 =	vtrunc.f32 v54;
	v44 =	vtrunc.f32 v44  }
0x9a: {  	[tilespmem:v34+s11+$0x0] =	vst.idx.msk $0xffff, v3;
	v34 =	vld [tilespmem:s25+$0x0];
	v29 =	vpop (erf);
	v33 =	vcvt.f32.s32 v55;
	v51 =	vshll.u32 v45, $0xB;
	vm0 =	veq.s32 v27, v45  }
0x9b: {  	v41 =	vld [tilespmem:s25+$0xFFFFFFF0];
	[tilespmem:v36+s11+$0x0] =	vst.idx.msk $0xffff, v3;
	v44 =	vcvt.f32.s32 v44;
	v43 =	vmul.f32 v29, v43;
	v56 =	vand.u32 $0x7FFFFFFF, v38  }
0x9c: {  	[tilespmem:s19+$0x30] =	vst v26;
	v47 =	vpop (erf);
	v14 =	vshll.u32 v30, $0xB;
	v26 =	vand.u32 $0x7FFFFFFF, v37;
	v63 =	vsel vm0, $0x3F800000, v0  }
0x9d: {  	[tilespmem:s19+$0x20] =	vst v32;
	vm5 =	vge.f32 v38, $0.0e+00;
	v47 =	vmul.f32 v47, v39;
	v36 =	vsub.f32 $0.0e+00, v56  }
0x9e: {  	v32 =	vld [tilespmem:s25+$0x20];
	v26 =	vsub.f32 $0.0e+00, v26;
	vm2 =	veq.s32 v19, v33;
	vm1 =	veq.s32 v25, v44  }
0x9f: {  	v29 =	vld [tilespmem:s25+$0xFFFFFFC0];
	v48 =	vpop (erf);
	v62 =	vand.u32 $0x7FFFFFFF, v35;
	vm6 =	vge.f32 v35, $0.0e+00;
	v43 =	vmul.f32 $1.500000000e+01, v43  }
0xa0: {  	v54 =	vld [tilespmem:s24+$0x30];
	v27 =	vmul.f32 v48, v46;
	v58 =	vand.u32 $0x7FFFFFFF, v34;
	v25 =	vand.u32 $0x7FFFFFFF, v41  }
0xa1: {  	v39 =	vld [tilespmem:s25+$0xFFFFFFE0];
	v49 =	vpop (erf);
	v52 =	vsub.f32 $0.0e+00, v62;
	v46 =	vmul.f32 $1.500000000e+01, v47;
	v36 =	vmul.f32 $1.442695020e+00, v36  }
0xa2: {  	v48 =	vmul.f32 v49, v40;
	v60 =	vsub.f32 $0.0e+00, v58;
	v26 =	vmul.f32 $1.442695020e+00, v26  }
0xa3: {  	v25 =	vsub.f32 $0.0e+00, v25;
	v50 =	vtrunc.f32 v43;
	v43 =	vshll.u32 v33, $0xB  }
0xa4: {  	v61 =	vand.u32 $0x7FFFFFFF, v32;
	v47 =	vmul.f32 $1.500000000e+01, v27;
	v19 =	vand.u32 $0x7FFFFFFF, v29  }
0xa5: {  	v42 =	vld [tilespmem:s24+$0xFFFFFFF0];
	(erf) = vpow2.f32 v36;
	v53 =	vsub.f32 $0.0e+00, v61;
	v55 =	vmul.f32 $1.442695020e+00, v25  }
0xa6: {  	v49 =	vld [tilespmem:s24+$0xFFFFFFC0];
	v36 =	vmul.f32 $1.442695020e+00, v60;
	v60 =	vshll.u32 v54, $0xB;
	v57 =	vand.u32 $0x7FFFFFFF, v39  }
0xa7: {  	v27 =	vsub.f32 $0.0e+00, v19;
	(erf) = vpow2.f32 v26;
	v26 =	vadd.s32 s21, v51  }
0xa8: {  	s23 =	sadd.s32 $0x1, s23;
	v59 =	vsub.f32 $0.0e+00, v57;
	v51 =	vor.u32 v6, v26;
	v26 =	vshll.u32 v44, $0xB  }
0xa9: {  	s26 =	sshll.u32 s23, $0x7;
	v47 =	vtrunc.f32 v47;
	v25 =	vadd.s32 s21, v26;
	v26 =	vtrunc.f32 v46  }
0xaa: {  	[tilespmem:v28+s11+$0x0] =	vst.idx.msk $0xffff, v63;
	v60 =	vadd.s32 s26, v60;
	v28 =	vmul.f32 $1.442695020e+00, v27;
	v19 =	vmul.f32 $1.442695020e+00, v59  }
0xab: {  	v27 =	vld [tilespmem:s24+$0xFFFFFFE0];
	v46 =	vshll.u32 v42, $0xB;
	v56 =	vor.u32 v8, v25;
	v25 =	vshll.u32 v49, $0xB  }
0xac: {  	v40 =	vcvt.f32.s32 v26;
	v59 =	vadd.s32 s26, v25;
	v25 =	vld [tilespmem:s24+$0x0];
	(erf) = vpow2.f32 v19  }
0xad: {  	v26 =	vtrunc.f32 v31;
	v62 =	vadd.s32 s26, v46;
	v46 =	vcvt.f32.s32 v50;
	v19 =	vld [tilespmem:s24+$0xFFFFFFD0]  }
0xae: {  	vm14 =	vge.f32 v39, $0.0e+00;
	v57 =	vld [tilespmem:s24+$0x10];
	v31 =	vmul.f32 $1.442695020e+00, v52;
	v26 =	vcvt.f32.s32 v26  }
0xaf: {  	vm3 =	veq.s32 v20, v40;
	v4 =	vshll.u32 v40, $0xB;
	vm4 =	veq.s32 v16, v46  }
0xb0: {  	vm0 =	veq.s32 v12, v26;
	v12 =	vmovc v54;
	v4 =	vadd.s32 s21, v4;
	v54 =	vshll.u32 v27, $0xB  }
0xb1: {  	[tilespmem:v51+s11+$0x0] =	vst.idx.msk $0xffff, v3;
	v51 =	vshll.u32 v26, $0xB;
	v4 =	vor.u32 v7, v4;
	v58 =	vpop (erf);
	v54 =	vadd.s32 s26, v54  }
0xb2: {  	v52 =	vadd.f32 $1.000000000e+00, v58;
	v5 =	vshll.u32 v25, $0xB;
	v20 =	vshll.u32 v19, $0xB  }
0xb3: {  	v63 =	vpop (erf);
	v5 =	vadd.s32 s26, v5;
	v61 =	vadd.s32 s26, v20;
	v20 =	vshll.u32 v57, $0xB  }
0xb4: {  	v2 =	vadd.f32 $1.000000000e+00, v63;
	v5 =	vor.u32 v8, v5;
	v50 =	vadd.s32 s26, v20  }
0xb5: {  	s19 =	smov.u32 s20;
	v38 =	vor.u32 v7, v50;
	v50 =	vsel vm5, $0x3F800000, v58;
	v1 =	vpop (erf);
	(erf) = vpow2.f32 v36  }
0xb6: {  	[tilespmem:s19+$0xFFFFFFE0] =	vst v45;
	v45 =	vadd.f32 $1.000000000e+00, v1;
	(erf) = vpow2.f32 v28;
	v28 =	vor.u32 v6, v54;
	v54 =	vld [tilespmem:$0x1FFF0]  }
0xb7: {  	v58 =	vlaneseq.u32;
	v20 =	vmovc v57;
	v57 =	vshll.u32 v46, $0xB;
	(erf) = vrcp.f32 v52  }
0xb8: {  	v36 =	vmul.f32 $1.442695020e+00, v53;
	v57 =	vadd.s32 s21, v57;
	(erf) = vrcp.f32 v45  }
0xb9: {  	v1 =	vsel vm14, $0x3F800000, v1;
	v45 =	vor.u32 v58, v57;
	(erf) = vpow2.f32 v31  }
0xba: {  	v57 =	vadd.s32 s21, v43;
	v31 =	vsel vm1, $0x3F800000, v0;
	vm1 =	vge.f32 v37, $0.0e+00  }
0xbb: {  	v16 =	vmovc v49;
	(erf) = vpow2.f32 v36;
	[tilespmem:v23+s11+$0x0] =	vst.idx.msk $0xffff, v31;
	v31 =	vadd.s32 s21, v51;
	v49 =	vor.u32 v54, v62;
	v62 =	vld [tilespmem:$0x1FFE0]  }
0xbc: {  	(erf) = vpow2.f32 v55;
	v36 =	vor.u32 v10, v31;
	v31 =	vsel vm1, $0x3F800000, v63  }
0xbd: {  	v23 =	vmovc v5;
	[tilespmem:v56+s11+$0x0] =	vst.idx.msk $0xffff, v3;
	v56 =	vmul.f32 $1.500000000e+01, v48;
	vm1 =	vge.f32 v32, $0.0e+00;
	v63 =	vsel vm4, $0x3F800000, v0  }
0xbe: {  	v32 =	vcvt.f32.s32 v47;
	[tilespmem:s19+$0x0] =	vst v44;
	v44 =	vor.u32 v58, v59;
	v58 =	vsel vm3, $0x3F800000, v0;
	v48 =	vpop (erf)  }
0xbf: {  	vm3 =	vge.f32 v41, $0.0e+00;
	[tilespmem:v21+s11+$0x0] =	vst.idx.msk $0xffff, v58;
	v21 =	vmov v38;
	v43 =	vpop (erf);
	v59 =	vadd.f32 $1.000000000e+00, v48  }
0xc0: {  	v5 =	vor.u32 v62, v61;
	v61 =	vtrunc.f32 v56;
	v38 =	vpop (erf);
	(erf) = vrcp.f32 v2  }
0xc1: {  	v2 =	vsel vm2, $0x3F800000, v0;
	v35 =	vcvt.f32.s32 v61;
	v51 =	vpop (erf);
	(erf) = vrcp.f32 v59  }
0xc2: {  	v52 =	vor.u32 v62, v57;
	v57 =	vadd.f32 $1.000000000e+00, v43;
	vm2 =	veq.s32 v11, v32;
	v58 =	vpop (erf)  }
0xc3: {  	[tilespmem:v24+s11+$0x0] =	vst.idx.msk $0xffff, v63;
	v1 =	vmul.f32 v51, v1;
	v59 =	vshll.u32 v35, $0xB;
	v39 =	vsel vm6, $0x3F800000, v58  }
0xc4: {  	[tilespmem:v45+s11+$0x0] =	vst.idx.msk $0xffff, v3;
	v61 =	vadd.f32 $1.000000000e+00, v58;
	v37 =	vpop (erf);
	(erf) = vrcp.f32 v57;
	vm15 =	veq.s32 v15, v35  }
0xc5: {  	s22 =	sadd.s32 $0x8, s22;
	[tilespmem:v4+s11+$0x0] =	vst.idx.msk $0xffff, v3;
	v24 =	vadd.s32 s21, v59;
	v63 =	vadd.f32 $1.000000000e+00, v37;
	v4 =	vpop (erf);
	v45 =	vmul.f32 $1.500000000e+01, v1  }
0xc6: {  	p1 =	slt.u32 s22, $0x78;
	[tilespmem:v22+s11+$0x0] =	vst.idx.msk $0xffff, v2;
	(erf) = vrcp.f32 v61;
	v41 =	vor.u32 v54, v24;
	v2 =	vadd.f32 $1.000000000e+00, v4  }
.Ltmp2:
0xc7: {  	[tilespmem:s19+$0x10] =	vst v40;
	v11 =	vmovc v30;
	v40 =	vsel vm3, $0x3F800000, v4;
	vm3 =	vge.f32 v34, $0.0e+00;
	v4 =	vshll.u32 v32, $0xB;
	(pc) =	sbr.rel @p1 .LBB2_7-.Ltmp2, $4  }
0xc8: {  	v22 =	vmovc v5;
	v15 =	vmovc v42;
	[tilespmem:v52+s11+$0x0] =	vst.idx.msk $0xffff, v3;
	(erf) = vrcp.f32 v63;
	v5 =	vsel vm3, $0x3F800000, v48;
	v4 =	vadd.s32 s21, v4  }
0xc9: {  	[tilespmem:s19+$0xFFFFFFD0] =	vst v33;
	v33 =	vor.u32 v10, v60;
	vm3 =	vge.f32 v29, $0.0e+00;
	v29 =	vmul.f32 v38, v50;
	v42 =	vpop (erf)  }
0xca: {  	s20 =	smov.u32 s24;
	[tilespmem:s19+$0xFFFFFFC0] =	vst v46;
	(erf) = vrcp.f32 v2;
	v34 =	vor.u32 v9, v4;
	v4 =	vsel vm15, $0x3F800000, v0;
	v2 =	vpop (erf)  }
0xcb: {  	s25 =	sadd.s32 $0x80, s25;
	s24 =	sadd.s32 $0x80, s24;
	s21 =	smov.u32 s26;
	v24 =	vmovc v44;
	v43 =	vsel vm3, $0x3F800000, v43;
	[tilespmem:v18+s11+$0x0] =	vst.idx.msk $0xffff, v4;
	v18 =	vmov v49;
	v44 =	vmul.f32 v2, v5  }
0xcc: {  	_ =	sdelay $0x1  }
0xcd: {  	v4 =	vtrunc.f32 v45;
	v29 =	vmul.f32 $1.500000000e+01, v29;
	v2 =	vpop (erf)  }
0xce: {  	v5 =	vsel vm2, $0x3F800000, v0;
	v30 =	vmul.f32 $1.500000000e+01, v44;
	v4 =	vcvt.f32.s32 v4;
	v46 =	vpop (erf)  }
0xcf: {  	[tilespmem:v17+s11+$0x0] =	vst.idx.msk $0xffff, v5;
	v5 =	vsel vm0, $0x3F800000, v0;
	v17 =	vmul.f32 v46, v39  }
0xd0: {  	[tilespmem:v41+s11+$0x0] =	vst.idx.msk $0xffff, v3;
	v29 =	vtrunc.f32 v29;
	v30 =	vtrunc.f32 v30;
	v47 =	vshll.u32 v4, $0xB  }
0xd1: {  	[tilespmem:v13+s11+$0x0] =	vst.idx.msk $0xffff, v5;
	v13 =	vcvt.f32.s32 v30;
	v5 =	vmul.f32 $1.500000000e+01, v17;
	v17 =	vadd.s32 s21, v47  }
0xd2: {  	[tilespmem:s19+$0xFFFFFFF0] =	vst v35;
	v2 =	vmul.f32 v2, v43;
	v29 =	vcvt.f32.s32 v29;
	v17 =	vor.u32 v6, v17  }
0xd3: {  	[tilespmem:v36+s11+$0x0] =	vst.idx.msk $0xffff, v3;
	vm0 =	veq.s32 v27, v4;
	v30 =	vshll.u32 v13, $0xB;
	v5 =	vtrunc.f32 v5  }
0xd4: {  	v2 =	vmul.f32 $1.500000000e+01, v2;
	[tilespmem:s19+$0x30] =	vst v26;
	v26 =	vadd.s32 s21, v30;
	v5 =	vcvt.f32.s32 v5  }
0xd5: {  	v1 =	vsel vm1, $0x3F800000, v37;
	[tilespmem:v34+s11+$0x0] =	vst.idx.msk $0xffff, v3;
	v30 =	vsel vm0, $0x3F800000, v0;
	v26 =	vor.u32 v8, v26  }
0xd6: {  	v27 =	vpop (erf);
	v2 =	vtrunc.f32 v2;
	vm0 =	veq.s32 v19, v29;
	[tilespmem:v28+s11+$0x0] =	vst.idx.msk $0xffff, v30;
	v19 =	vshll.u32 v5, $0xB  }
0xd7: {  	v1 =	vmul.f32 v27, v1;
	vm1 =	veq.s32 v25, v13;
	[tilespmem:v17+s11+$0x0] =	vst.idx.msk $0xffff, v3;
	v17 =	vadd.s32 s21, v19  }
0xd8: {  	v27 =	vpop (erf);
	v2 =	vcvt.f32.s32 v2;
	[tilespmem:s20+$0xFFFFFFE0] =	vst v4;
	v4 =	vor.u32 v7, v17;
	v17 =	vsel vm1, $0x3F800000, v0  }
0xd9: {  	v19 =	vmul.f32 v27, v40;
	vm1 =	veq.s32 v20, v5;
	[tilespmem:v23+s11+$0x0] =	vst.idx.msk $0xffff, v17  }
0xda: {  	vm2 =	veq.s32 v16, v2;
	v16 =	vsel vm1, $0x3F800000, v0;
	[tilespmem:v26+s11+$0x0] =	vst.idx.msk $0xffff, v3  }
0xdb: {  	v25 =	vshll.u32 v29, $0xB;
	v17 =	vmul.f32 $1.500000000e+01, v19;
	v19 =	vshll.u32 v2, $0xB;
	[tilespmem:v21+s11+$0x0] =	vst.idx.msk $0xffff, v16  }
0xdc: {  	v28 =	vmul.f32 v42, v31;
	v16 =	vadd.s32 s21, v19;
	[tilespmem:s20+$0x0] =	vst v13;
	v13 =	vadd.s32 s21, v25  }
0xdd: {  	[tilespmem:s19+$0x20] =	vst v32;
	v19 =	vsel vm2, $0x3F800000, v0;
	v17 =	vtrunc.f32 v17;
	v13 =	vor.u32 v62, v13  }
0xde: {  	v63 =	vmovc v7;
	v1 =	vmul.f32 $1.500000000e+01, v1;
	v7 =	vlaneseq.u32;
	[tilespmem:v24+s11+$0x0] =	vst.idx.msk $0xffff, v19;
	v17 =	vcvt.f32.s32 v17  }
0xdf: {  	v27 =	vmul.f32 $1.500000000e+01, v28;
	[tilespmem:v4+s11+$0x0] =	vst.idx.msk $0xffff, v3;
	v4 =	vor.u32 v7, v16;
	v16 =	vsel vm0, $0x3F800000, v0  }
0xe0: {  	v14 =	vadd.s32 s21, v14;
	v19 =	vshll.u32 v17, $0xB;
	[tilespmem:v22+s11+$0x0] =	vst.idx.msk $0xffff, v16  }
0xe1: {  	v1 =	vtrunc.f32 v1;
	v16 =	vtrunc.f32 v27;
	[tilespmem:s20+$0x10] =	vst v5;
	v19 =	vadd.s32 s21, v19  }
0xe2: {  	v1 =	vcvt.f32.s32 v1;
	v5 =	vcvt.f32.s32 v16;
	v16 =	vor.u32 v54, v19;
	[tilespmem:v13+s11+$0x0] =	vst.idx.msk $0xffff, v3  }
0xe3: {  	v14 =	vor.u32 v9, v14;
	[tilespmem:s20+$0xFFFFFFD0] =	vst v29  }
0xe4: {  	vm0 =	veq.s32 v15, v17;
	v13 =	vshll.u32 v1, $0xB;
	[tilespmem:v4+s11+$0x0] =	vst.idx.msk $0xffff, v3  }
0xe5: {  	v19 =	vshll.u32 v5, $0xB;
	v13 =	vadd.s32 s21, v13;
	[tilespmem:s20+$0xFFFFFFC0] =	vst v2;
	v2 =	vsel vm0, $0x3F800000, v0  }
0xe6: {  	v4 =	vor.u32 v9, v13;
	v13 =	vadd.s32 s21, v19;
	vm0 =	veq.s32 v11, v1;
	[tilespmem:v18+s11+$0x0] =	vst.idx.msk $0xffff, v2  }
0xe7: {  	v13 =	vor.u32 v10, v13;
	v2 =	vsel vm0, $0x3F800000, v0;
	vm0 =	veq.s32 v12, v5;
	[tilespmem:v16+s11+$0x0] =	vst.idx.msk $0xffff, v3  }
0xe8: {  	[tilespmem:v14+s11+$0x0] =	vst.idx.msk $0xffff, v2;
	v2 =	vsel vm0, $0x3F800000, v0  }
0xe9: {  	[tilespmem:v33+s11+$0x0] =	vst.idx.msk $0xffff, v2  }
0xea: {  	[tilespmem:s20+$0xFFFFFFF0] =	vst v17  }
0xeb: {  	[tilespmem:v4+s11+$0x0] =	vst.idx.msk $0xffff, v3  }
0xec: {  	[tilespmem:v13+s11+$0x0] =	vst.idx.msk $0xffff, v3  }
0xed: {  	p1 =	seq.s32 s17, $0x1F;
	[tilespmem:s20+$0x20] =	vst v1  }
0xee: {  	s29 =	sand.u32 $0x3FE00, s18;
	s19 =	sadd.s32 @!p1 s18, s6;
	[tilespmem:s20+$0x30] =	vst v5;
	s20 =	simm.s32 @!p1 $0x0  }
0xef: {  	[tilespmem:s20], [sflag:$0x1] =	stream.linear.gather @!p1 [hbm4b:s19+s20], $0x800, $0x38;
	[tilespmem:$0x12000] =	vst v63  }
0xf0: {  	s19 =	sadd.s32 s29, s7  }
0xf1: {  	[hbm4b:s19+s9] =	stream.strided.scatter [tilespmem:s11], [sflag:$0x3], $0x8000, s12, s9, $0x38;
	[tilespmem:$0x12000] =	vst v63  }
0xf2: {  	_ =	swait.ge [sflag:s13], $0x800  }
0xf3: {  	[sflag:s13] =	ssyncset.done $0x0  }
0xf4: {  	s19 =	simm.s32 @!p0 $0x4;
	[sflag:s13] =	ssyncadd.s32 $0xFFFFF800  }
0xf5: {  	_ =	swait.ge @!p0 [sflag:s19], $0x8000  }
0xf6: {  	[sflag:s19] =	ssyncset.done @!p0 $0x0  }
0xf7: {  	s30 =	simm.s32 $0x840;
	[sflag:s19] =	ssyncadd.s32 @!p0 $0xFFFF8000  }
0xf8: {  	v1 =	vld [tilespmem:s30+$0xFFFFFFD0]  }
0xf9: {  	v2 =	vld [tilespmem:s30+$0x30]  }
0xfa: {  	v4 =	vld [tilespmem:s30+$0xFFFFFFE0];
	_ =	sdelay $0x2  }
0xfb: {  	v5 =	vand.u32 $0x7FFFFFFF, v1  }
0xfc: {  	v11 =	vand.u32 $0x7FFFFFFF, v2;
	v5 =	vsub.f32 $0.0e+00, v5  }
0xfd: {  	v12 =	vand.u32 $0x7FFFFFFF, v4;
	v11 =	vsub.f32 $0.0e+00, v11  }
0xfe: {  	v12 =	vsub.f32 $0.0e+00, v12;
	v5 =	vmul.f32 $1.442695020e+00, v5  }
0xff: {  	v11 =	vmul.f32 $1.442695020e+00, v11  }
0x100: {  	(erf) = vpow2.f32 v5;
	v5 =	vmul.f32 $1.442695020e+00, v12  }
0x101: {  	v12 =	vld [tilespmem:s30+$0x0];
	(erf) = vpow2.f32 v11  }
0x102: {  	v11 =	vld [tilespmem:s30+$0xFFFFFFC0];
	(erf) = vpow2.f32 v5;
	_ =	sdelay $0x1  }
0x103: {  	v5 =	vld [tilespmem:s30+$0x10];
	_ =	sdelay $0x1  }
0x104: {  	v13 =	vand.u32 $0x7FFFFFFF, v12  }
0x105: {  	v15 =	vld [tilespmem:s30+$0xFFFFFFF0];
	v14 =	vand.u32 $0x7FFFFFFF, v11;
	v13 =	vsub.f32 $0.0e+00, v13  }
0x106: {  	s19 =	simm.s32 $0x11840;
	v16 =	vld [tilespmem:s30+$0x20];
	v14 =	vsub.f32 $0.0e+00, v14  }
0x107: {  	v21 =	vld [tilespmem:s19+$0xFFFFFFF0];
	v19 =	vand.u32 $0x7FFFFFFF, v5;
	v13 =	vmul.f32 $1.442695020e+00, v13;
	v17 =	vpop (erf)  }
0x108: {  	v48 =	vld [tilespmem:s19+$0xFFFFFFD0];
	v19 =	vsub.f32 $0.0e+00, v19;
	v14 =	vmul.f32 $1.442695020e+00, v14;
	v26 =	vpop (erf)  }
0x109: {  	v49 =	vld [tilespmem:s19+$0xFFFFFFE0];
	v22 =	vadd.f32 $1.000000000e+00, v17;
	(erf) = vpow2.f32 v13;
	v27 =	vpop (erf)  }
0x10a: {  	s31 =	simm.s32 $0x8C0;
	v50 =	vld [tilespmem:s19+$0x0];
	(erf) = vpow2.f32 v14;
	v14 =	vmul.f32 $1.442695020e+00, v19;
	v13 =	vadd.f32 $1.000000000e+00, v27  }
0x10b: {  	v39 =	vld [tilespmem:s31+$0x30];
	v19 =	vand.u32 $0x7FFFFFFF, v16;
	(erf) = vrcp.f32 v22;
	v22 =	vand.u32 $0x7FFFFFFF, v15  }
0x10c: {  	v40 =	vld [tilespmem:s31+$0xFFFFFFE0];
	v19 =	vsub.f32 $0.0e+00, v19;
	(erf) = vrcp.f32 v13;
	v13 =	vsub.f32 $0.0e+00, v22  }
0x10d: {  	v61 =	vld [tilespmem:s31+$0x10];
	(erf) = vpow2.f32 v14  }
0x10e: {  	v42 =	vld [tilespmem:s31+$0x0];
	v19 =	vmul.f32 $1.442695020e+00, v19;
	v13 =	vmul.f32 $1.442695020e+00, v13  }
0x10f: {  	v34 =	vld [tilespmem:s31+$0xFFFFFFC0];
	v24 =	vshll.u32 v48, $0xB;
	v28 =	vshll.u32 v21, $0xB;
	v29 =	vshll.u32 v49, $0xB  }
0x110: {  	v53 =	vshll.u32 v50, $0xB;
	vm0 =	vge.f32 v1, $0.0e+00;
	(erf) = vpow2.f32 v19  }
0x111: {  	vm2 =	vge.f32 v16, $0.0e+00;
	vm3 =	vge.f32 v15, $0.0e+00;
	vm12 =	vge.f32 v39, $0.0e+00  }
0x112: {  	s23 =	simm.s32 $0x0;
	v18 =	vld [tilespmem:s19+$0x20];
	vm7 =	vge.f32 v40, $0.0e+00;
	vm5 =	vge.f32 v61, $0.0e+00;
	(erf) = vpow2.f32 v13;
	v13 =	vpop (erf)  }
0x113: {  	v20 =	vld [tilespmem:s19+$0xFFFFFFC0];
	vm14 =	vge.f32 v42, $0.0e+00;
	v51 =	vadd.s32 s23, v28;
	v28 =	vadd.f32 $1.000000000e+00, v26;
	v52 =	vpop (erf)  }
0x114: {  	v23 =	vld [tilespmem:s19+$0x30];
	vm15 =	vge.f32 v34, $0.0e+00;
	v24 =	vadd.s32 s23, v24;
	v30 =	vadd.f32 $1.000000000e+00, v13;
	v55 =	vpop (erf)  }
0x115: {  	v29 =	vadd.s32 s23, v29;
	(erf) = vrcp.f32 v28;
	v57 =	vadd.f32 $1.000000000e+00, v52;
	v56 =	vpop (erf)  }
0x116: {  	v25 =	vld [tilespmem:s19+$0x10];
	v24 =	vor.u32 v62, v24;
	vm1 =	vge.f32 v5, $0.0e+00;
	(erf) = vrcp.f32 v30;
	v58 =	vpop (erf)  }
0x117: {  	v17 =	vsel vm0, $0x3F800000, v17;
	(erf) = vrcp.f32 v57;
	v1 =	vadd.f32 $1.000000000e+00, v58  }
0x118: {  	vm0 =	vge.f32 v2, $0.0e+00;
	v22 =	vshll.u32 v20, $0xB;
	v14 =	vshll.u32 v18, $0xB  }
0x119: {  	v31 =	vadd.s32 s23, v22;
	v22 =	vshll.u32 v23, $0xB;
	v2 =	vpop (erf);
	(erf) = vrcp.f32 v1  }
0x11a: {  	v1 =	vsel vm0, $0x3F800000, v26;
	vm0 =	vge.f32 v4, $0.0e+00;
	v4 =	vadd.f32 $1.000000000e+00, v2  }
0x11b: {  	v19 =	vshll.u32 v25, $0xB;
	v38 =	vadd.s32 s23, v22;
	v22 =	vadd.s32 s23, v53;
	v5 =	vpop (erf)  }
0x11c: {  	v19 =	vadd.s32 s23, v19;
	v30 =	vor.u32 v6, v29;
	v16 =	vadd.f32 $1.000000000e+00, v5  }
0x11d: {  	v29 =	vor.u32 v63, v19;
	v19 =	vsel vm0, $0x3F800000, v27;
	(erf) = vrcp.f32 v4  }
0x11e: {  	vm0 =	vge.f32 v12, $0.0e+00;
	(erf) = vrcp.f32 v16;
	v16 =	vmul.f32 v56, v19;
	v4 =	vpop (erf)  }
0x11f: {  	v31 =	vor.u32 v7, v31;
	v12 =	vsel vm0, $0x3F800000, v13;
	vm0 =	vge.f32 v11, $0.0e+00;
	v13 =	vpop (erf)  }
0x120: {  	v17 =	vmul.f32 v55, v17;
	v27 =	vld [tilespmem:s31+$0xFFFFFFD0];
	v19 =	vsel vm0, $0x3F800000, v52;
	v16 =	vmul.f32 $1.500000000e+01, v16;
	v26 =	vpop (erf)  }
0x121: {  	v14 =	vadd.s32 s23, v14;
	v28 =	vor.u32 v8, v22;
	v19 =	vmul.f32 v26, v19  }
0x122: {  	v57 =	vand.u32 $0x7FFFFFFF, v61;
	v17 =	vmul.f32 $1.500000000e+01, v17;
	v16 =	vtrunc.f32 v16  }
0x123: {  	v15 =	vsel vm1, $0x3F800000, v58;
	v36 =	vcvt.f32.s32 v16;
	v26 =	vpop (erf);
	v16 =	vmul.f32 $1.500000000e+01, v19  }
0x124: {  	v37 =	vsub.f32 $0.0e+00, v57;
	v19 =	vtrunc.f32 v17;
	v15 =	vmul.f32 v26, v15  }
0x125: {  	v26 =	vand.u32 $0x7FFFFFFF, v27;
	v33 =	vcvt.f32.s32 v19;
	v19 =	vand.u32 $0x7FFFFFFF, v39  }
0x126: {  	v26 =	vsub.f32 $0.0e+00, v26;
	v41 =	vtrunc.f32 v16;
	v16 =	vsub.f32 $0.0e+00, v19  }
0x127: {  	s20 =	simm.s32 $0x118C0;
	v22 =	vor.u32 v54, v51;
	v37 =	vmul.f32 $1.442695020e+00, v37;
	v19 =	vand.u32 $0x7FFFFFFF, v40  }
0x128: {  	v11 =	vld [tilespmem:s20+$0x20];
	v19 =	vsub.f32 $0.0e+00, v19;
	v26 =	vmul.f32 $1.442695020e+00, v26;
	v16 =	vmul.f32 $1.442695020e+00, v16  }
0x129: {  	v2 =	vsel vm2, $0x3F800000, v2;
	v1 =	vmul.f32 v4, v1;
	v12 =	vmul.f32 v13, v12  }
0x12a: {  	v5 =	vsel vm3, $0x3F800000, v5;
	v19 =	vmul.f32 $1.442695020e+00, v19;
	(erf) = vpow2.f32 v26  }
0x12b: {  	v13 =	vor.u32 v10, v38;
	v1 =	vmul.f32 $1.500000000e+01, v1;
	v59 =	vpop (erf);
	(erf) = vpow2.f32 v16  }
0x12c: {  	vm4 =	vge.f32 v27, $0.0e+00;
	v12 =	vmul.f32 $1.500000000e+01, v12;
	v16 =	vpop (erf);
	(erf) = vpow2.f32 v19  }
0x12d: {  	v17 =	vor.u32 v9, v14;
	v14 =	vshll.u32 v11, $0xB;
	v1 =	vtrunc.f32 v1  }
0x12e: {  	v12 =	vtrunc.f32 v12;
	v60 =	vshll.u32 v36, $0xB;
	vm0 =	veq.s32 v49, v36  }
0x12f: {  	v38 =	vcvt.f32.s32 v12;
	v12 =	vand.u32 $0x7FFFFFFF, v42;
	v46 =	vsel vm0, $0x3F800000, v0  }
0x130: {  	v35 =	vld [tilespmem:s31+$0x20];
	v43 =	vadd.s32 s23, v60;
	v2 =	vmul.f32 v59, v2;
	vm2 =	veq.s32 v48, v33  }
0x131: {  	v15 =	vmul.f32 $1.500000000e+01, v15;
	v12 =	vsub.f32 $0.0e+00, v12;
	v26 =	vand.u32 $0x7FFFFFFF, v34  }
0x132: {  	v44 =	vld [tilespmem:s31+$0xFFFFFFF0];
	v4 =	vshll.u32 v33, $0xB;
	v56 =	vcvt.f32.s32 v41;
	v26 =	vsub.f32 $0.0e+00, v26  }
0x133: {  	v43 =	vor.u32 v6, v43;
	v2 =	vmul.f32 $1.500000000e+01, v2;
	v48 =	vmul.f32 $1.442695020e+00, v12;
	v49 =	vpop (erf)  }
0x134: {  	vm1 =	veq.s32 v50, v38;
	v15 =	vtrunc.f32 v15;
	v26 =	vmul.f32 $1.442695020e+00, v26;
	v51 =	vpop (erf)  }
0x135: {  	v19 =	vand.u32 $0x7FFFFFFF, v35;
	(erf) = vpow2.f32 v48;
	v53 =	vadd.f32 $1.000000000e+00, v49;
	v54 =	vpop (erf)  }
0x136: {  	v47 =	vsub.f32 $0.0e+00, v19;
	(erf) = vpow2.f32 v26;
	v59 =	vadd.f32 $1.000000000e+00, v54  }
0x137: {  	v5 =	vmul.f32 v16, v5;
	v16 =	vand.u32 $0x7FFFFFFF, v44;
	(erf) = vrcp.f32 v53  }
0x138: {  	v58 =	vsub.f32 $0.0e+00, v16;
	v47 =	vmul.f32 $1.442695020e+00, v47;
	(erf) = vrcp.f32 v59  }
0x139: {  	v4 =	vadd.s32 s23, v4;
	v52 =	vcvt.f32.s32 v15;
	v15 =	vld [tilespmem:s20+$0xFFFFFFF0];
	(erf) = vpow2.f32 v37  }
0x13a: {  	vm6 =	veq.s32 v20, v56;
	v16 =	vld [tilespmem:s20+$0xFFFFFFC0];
	v45 =	vmul.f32 $1.442695020e+00, v58;
	(erf) = vpow2.f32 v47  }
0x13b: {  	v27 =	vld [tilespmem:s20+$0xFFFFFFE0];
	v4 =	vor.u32 v62, v4;
	v2 =	vtrunc.f32 v2;
	v19 =	vshll.u32 v38, $0xB  }
0x13c: {  	vm3 =	veq.s32 v25, v52;
	v32 =	vcvt.f32.s32 v2;
	v19 =	vadd.s32 s23, v19  }
0x13d: {  	v39 =	vsel vm3, $0x3F800000, v0;
	vm3 =	vge.f32 v44, $0.0e+00;
	v50 =	vor.u32 v8, v19;
	v19 =	vld [tilespmem:s20+$0xFFFFFFD0]  }
0x13e: {  	v60 =	vshll.u32 v15, $0xB;
	v5 =	vmul.f32 $1.500000000e+01, v5;
	(erf) = vpow2.f32 v45;
	v45 =	vpop (erf)  }
0x13f: {  	s21 =	simm.s32 $0x80;
	v58 =	vsel vm2, $0x3F800000, v0;
	vm2 =	veq.s32 v18, v32;
	v26 =	vshll.u32 v16, $0xB;
	v57 =	vpop (erf)  }
0x140: {  	v18 =	vshll.u32 v27, $0xB;
	v53 =	vadd.s32 s21, v26;
	v26 =	vcvt.f32.s32 v1;
	v40 =	vpop (erf)  }
0x141: {  	v55 =	vadd.s32 s21, v60;
	v5 =	vtrunc.f32 v5;
	v18 =	vadd.s32 s21, v18;
	v59 =	vpop (erf)  }
0x142: {  	v20 =	vld [tilespmem:s20+$0x10];
	v25 =	vshll.u32 v19, $0xB;
	vm0 =	veq.s32 v23, v26;
	v23 =	vadd.f32 $1.000000000e+00, v51;
	v44 =	vpop (erf)  }
0x143: {  	v12 =	vld [tilespmem:s20+$0x30];
	v41 =	vsel vm4, $0x3F800000, v49;
	v48 =	vadd.s32 s21, v25;
	v25 =	vadd.f32 $1.000000000e+00, v45;
	v37 =	vpop (erf)  }
0x144: {  	(erf) = vrcp.f32 v23;
	v23 =	vadd.f32 $1.000000000e+00, v57;
	v2 =	vadd.f32 $1.000000000e+00, v37  }
0x145: {  	v49 =	vsel vm1, $0x3F800000, v0;
	(erf) = vrcp.f32 v25;
	v60 =	vadd.f32 $1.000000000e+00, v44  }
0x146: {  	[tilespmem:v30+s14+$0x0] =	vst.idx.msk $0xffff, v46;
	vm1 =	vge.f32 v35, $0.0e+00;
	v35 =	vcvt.f32.s32 v5;
	(erf) = vrcp.f32 v23  }
0x147: {  	v5 =	vsel vm6, $0x3F800000, v0;
	[tilespmem:v28+s14+$0x0] =	vst.idx.msk $0xffff, v49;
	v28 =	vshll.u32 v20, $0xB;
	v25 =	vld [tilespmem:s20+$0x0];
	(erf) = vrcp.f32 v60  }
0x148: {  	[tilespmem:v31+s14+$0x0] =	vst.idx.msk $0xffff, v5;
	v31 =	vsel vm12, $0x3F800000, v51;
	v1 =	vshll.u32 v12, $0xB;
	(erf) = vrcp.f32 v2;
	v2 =	vpop (erf)  }
0x149: {  	[tilespmem:v29+s14+$0x0] =	vst.idx.msk $0xffff, v39;
	v30 =	vsel vm7, $0x3F800000, v54;
	vm13 =	veq.s32 v21, v35;
	v21 =	vadd.f32 $1.000000000e+00, v2  }
0x14a: {  	[tilespmem:v24+s14+$0x0] =	vst.idx.msk $0xffff, v58;
	v5 =	vadd.s32 s21, v28;
	v28 =	vor.u32 v6, v18;
	v18 =	vshll.u32 v56, $0xB  }
0x14b: {  	v46 =	vld [tilespmem:$0x1FFF0];
	[tilespmem:v43+s14+$0x0] =	vst.idx.msk $0xffff, v3;
	v29 =	vshll.u32 v35, $0xB;
	(erf) = vrcp.f32 v21;
	v21 =	vshll.u32 v52, $0xB  }
0x14c: {  	[tilespmem:v50+s14+$0x0] =	vst.idx.msk $0xffff, v3;
	v23 =	vsel vm13, $0x3F800000, v0;
	v24 =	vshll.u32 v25, $0xB;
	v21 =	vadd.s32 s23, v21  }
0x14d: {  	v1 =	vadd.s32 s21, v1;
	[tilespmem:v22+s14+$0x0] =	vst.idx.msk $0xffff, v23;
	v22 =	vadd.s32 s21, v24;
	v24 =	vor.u32 v63, v21  }
0x14e: {  	[tilespmem:v4+s14+$0x0] =	vst.idx.msk $0xffff, v3;
	v4 =	vadd.s32 s23, v29;
	v21 =	vor.u32 v63, v5;
	v5 =	vadd.s32 s23, v18  }
0x14f: {  	[tilespmem:s19+$0xFFFFFFD0] =	vst v33;
	v33 =	vor.u32 v10, v1;
	v47 =	vshll.u32 v26, $0xB;
	v5 =	vor.u32 v7, v5  }
0x150: {  	[tilespmem:s19+$0xFFFFFFE0] =	vst v36;
	v61 =	vsel vm14, $0x3F800000, v45;
	v43 =	vsel vm15, $0x3F800000, v57;
	v29 =	vmul.f32 v40, v41  }
0x151: {  	[tilespmem:s19+$0x0] =	vst v38;
	v41 =	vor.u32 v46, v4;
	v4 =	vshll.u32 v32, $0xB;
	v30 =	vmul.f32 v59, v30  }
0x152: {  	v39 =	vsel vm5, $0x3F800000, v44;
	v23 =	vor.u32 v8, v22;
	v22 =	vadd.s32 s23, v47;
	[tilespmem:v24+s14+$0x0] =	vst.idx.msk $0xffff, v3  }
0x153: {  	v40 =	vsel vm3, $0x3F800000, v2;
	v2 =	vadd.s32 s23, v4;
	v36 =	vor.u32 v10, v22;
	v42 =	vpop (erf);
	[tilespmem:s19+$0x10] =	vst v52  }
0x154: {  	s22 =	simm.s32 $0x8;
	v45 =	vmul.f32 $1.500000000e+01, v30;
	v22 =	vor.u32 v62, v48;
	v34 =	vor.u32 v9, v2;
	v62 =	vpop (erf);
	[tilespmem:v5+s14+$0x0] =	vst.idx.msk $0xffff, v3  }
0x155: {  	s24 =	simm.s32 $0x11940;
	s25 =	simm.s32 $0x940;
	v44 =	vmul.f32 v62, v61;
	v18 =	vor.u32 v46, v55;
	s23 =	simm.s32 $0x1;
	v24 =	vor.u32 v7, v53;
	[tilespmem:s19+$0xFFFFFFC0] =	vst v56  }
.LBB2_9:
0x156: {  	v38 =	vld [tilespmem:s25+$0xFFFFFFD0];
	v1 =	vsel vm1, $0x3F800000, v37;
	v5 =	vmul.f32 $1.500000000e+01, v29  }
0x157: {  	[tilespmem:v41+s14+$0x0] =	vst.idx.msk $0xffff, v3;
	v4 =	vsel vm2, $0x3F800000, v0;
	v30 =	vld [tilespmem:s24+$0x20];
	v31 =	vmul.f32 v42, v31;
	v56 =	vtrunc.f32 v45  }
0x158: {  	v2 =	vadd.s32 s21, v14;
	v37 =	vld [tilespmem:s25+$0x30];
	v14 =	vmul.f32 $1.500000000e+01, v44;
	[tilespmem:v17+s14+$0x0] =	vst.idx.msk $0xffff, v4;
	v29 =	vpop (erf);
	v45 =	vcvt.f32.s32 v56  }
0x159: {  	v4 =	vsel vm0, $0x3F800000, v0;
	[tilespmem:s19+$0xFFFFFFF0] =	vst v35;
	v5 =	vtrunc.f32 v5;
	v17 =	vmul.f32 v29, v43  }
0x15a: {  	[tilespmem:v13+s14+$0x0] =	vst.idx.msk $0xffff, v4;
	v13 =	vmov v33;
	v57 =	vpop (erf);
	v33 =	vcvt.f32.s32 v5;
	v5 =	vtrunc.f32 v14  }
0x15b: {  	v35 =	vld [tilespmem:s25+$0x10];
	[tilespmem:v34+s14+$0x0] =	vst.idx.msk $0xffff, v3;
	v43 =	vmul.f32 v57, v39;
	v46 =	vshll.u32 v45, $0xB;
	vm0 =	veq.s32 v27, v45  }
0x15c: {  	v34 =	vld [tilespmem:s25+$0x0];
	[tilespmem:v36+s14+$0x0] =	vst.idx.msk $0xffff, v3;
	v44 =	vcvt.f32.s32 v5;
	v4 =	vmul.f32 $1.500000000e+01, v17;
	v17 =	vor.u32 v9, v2  }
0x15d: {  	v29 =	vld [tilespmem:s25+$0xFFFFFFC0];
	[tilespmem:s19+$0x30] =	vst v26;
	v2 =	vand.u32 $0x7FFFFFFF, v38;
	v14 =	vshll.u32 v30, $0xB;
	v26 =	vand.u32 $0x7FFFFFFF, v37  }
0x15e: {  	[tilespmem:s19+$0x20] =	vst v32;
	v39 =	vld [tilespmem:s25+$0xFFFFFFE0];
	vm2 =	veq.s32 v19, v33;
	v50 =	vsel vm0, $0x3F800000, v0;
	vm5 =	vge.f32 v38, $0.0e+00  }
0x15f: {  	v32 =	vld [tilespmem:s25+$0x20];
	v2 =	vsub.f32 $0.0e+00, v2;
	v26 =	vsub.f32 $0.0e+00, v26;
	v27 =	vmul.f32 $1.500000000e+01, v43  }
0x160: {  	v41 =	vld [tilespmem:s25+$0xFFFFFFF0];
	v58 =	vpop (erf);
	v43 =	vshll.u32 v33, $0xB;
	vm1 =	veq.s32 v25, v44;
	v25 =	vand.u32 $0x7FFFFFFF, v35  }
0x161: {  	vm6 =	vge.f32 v35, $0.0e+00;
	v4 =	vtrunc.f32 v4;
	v1 =	vmul.f32 v58, v1  }
0x162: {  	v59 =	vpop (erf);
	v60 =	vand.u32 $0x7FFFFFFF, v34;
	v25 =	vsub.f32 $0.0e+00, v25;
	v2 =	vmul.f32 $1.442695020e+00, v2  }
0x163: {  	v19 =	vand.u32 $0x7FFFFFFF, v29;
	v47 =	vmul.f32 v59, v40;
	v26 =	vmul.f32 $1.442695020e+00, v26  }
0x164: {  	v51 =	vld [tilespmem:s24+$0x30];
	[tilespmem:v28+s14+$0x0] =	vst.idx.msk $0xffff, v50;
	v28 =	vtrunc.f32 v27;
	v5 =	vand.u32 $0x7FFFFFFF, v39;
	v61 =	vand.u32 $0x7FFFFFFF, v32  }
0x165: {  	v1 =	vmul.f32 $1.500000000e+01, v1;
	v62 =	vsub.f32 $0.0e+00, v19;
	v19 =	vand.u32 $0x7FFFFFFF, v41  }
0x166: {  	v42 =	vld [tilespmem:s24+$0xFFFFFFF0];
	v40 =	vcvt.f32.s32 v28;
	v55 =	vmul.f32 $1.442695020e+00, v25;
	v5 =	vsub.f32 $0.0e+00, v5  }
0x167: {  	(erf) = vpow2.f32 v2;
	v2 =	vmul.f32 $1.500000000e+01, v31;
	v31 =	vsub.f32 $0.0e+00, v60  }
0x168: {  	vm14 =	vge.f32 v39, $0.0e+00;
	v49 =	vsub.f32 $0.0e+00, v19;
	v36 =	vsub.f32 $0.0e+00, v61  }
0x169: {  	v19 =	vadd.s32 s21, v46;
	v56 =	vshll.u32 v51, $0xB;
	v46 =	vcvt.f32.s32 v4  }
0x16a: {  	v48 =	vld [tilespmem:s24+$0xFFFFFFC0];
	(erf) = vpow2.f32 v26;
	v26 =	vshll.u32 v44, $0xB;
	v50 =	vmul.f32 $1.442695020e+00, v62  }
0x16b: {  	s23 =	sadd.s32 $0x1, s23;
	v27 =	vld [tilespmem:s24+$0xFFFFFFE0];
	vm3 =	veq.s32 v20, v40;
	v20 =	vshll.u32 v42, $0xB;
	v5 =	vmul.f32 $1.442695020e+00, v5  }
0x16c: {  	s26 =	sshll.u32 s23, $0x7;
	v25 =	vld [tilespmem:s24+$0x0];
	v62 =	vshll.u32 v40, $0xB;
	v1 =	vtrunc.f32 v1;
	v49 =	vmul.f32 $1.442695020e+00, v49  }
0x16d: {  	v56 =	vadd.s32 s26, v56;
	v28 =	vmul.f32 $1.442695020e+00, v31;
	v31 =	vld [tilespmem:s24+$0x10];
	(erf) = vpow2.f32 v5  }
0x16e: {  	v26 =	vadd.s32 s21, v26;
	v2 =	vtrunc.f32 v2;
	v5 =	vor.u32 v6, v19;
	v19 =	vld [tilespmem:s24+$0xFFFFFFD0]  }
0x16f: {  	v58 =	vadd.s32 s26, v20;
	v52 =	vor.u32 v8, v26;
	v26 =	vshll.u32 v48, $0xB  }
0x170: {  	v7 =	vmovc v10;
	v10 =	vmovc v9;
	vm4 =	veq.s32 v16, v46;
	v54 =	vadd.s32 s26, v26;
	v26 =	vcvt.f32.s32 v2  }
0x171: {  	v9 =	vmovc v63;
	v16 =	vmovc v48;
	v36 =	vmul.f32 $1.442695020e+00, v36;
	v48 =	vadd.s32 s21, v62;
	v63 =	vshll.u32 v25, $0xB  }
0x172: {  	v57 =	vshll.u32 v26, $0xB;
	vm0 =	veq.s32 v12, v26;
	v12 =	vmovc v51;
	v51 =	vshll.u32 v27, $0xB  }
0x173: {  	v62 =	vld [tilespmem:$0x1FFE0];
	v20 =	vshll.u32 v31, $0xB;
	v51 =	vadd.s32 s26, v51;
	v53 =	vpop (erf);
	[tilespmem:v5+s14+$0x0] =	vst.idx.msk $0xffff, v3;
	v5 =	vshll.u32 v19, $0xB  }
0x174: {  	s19 =	smov.u32 s20;
	v4 =	vadd.s32 s26, v20;
	v2 =	vadd.f32 $1.000000000e+00, v53;
	v5 =	vadd.s32 s26, v5;
	v59 =	vpop (erf)  }
0x175: {  	[tilespmem:s19+$0xFFFFFFE0] =	vst v45;
	v45 =	vadd.s32 s26, v63;
	v63 =	vmovc v9;
	v9 =	vmovc v10;
	v10 =	vmov v7;
	v7 =	vld [tilespmem:$0x1FFF0];
	v60 =	vadd.f32 $1.000000000e+00, v59  }
0x176: {  	v45 =	vor.u32 v8, v45;
	v48 =	vor.u32 v63, v48;
	v61 =	vpop (erf);
	(erf) = vpow2.f32 v28  }
0x177: {  	v20 =	vmovc v31;
	v4 =	vor.u32 v63, v4;
	v31 =	vadd.f32 $1.000000000e+00, v61;
	(erf) = vpow2.f32 v50  }
0x178: {  	v5 =	vor.u32 v62, v5;
	v28 =	vor.u32 v6, v51;
	(erf) = vrcp.f32 v2  }
0x179: {  	v50 =	vshll.u32 v46, $0xB;
	v2 =	vsel vm5, $0x3F800000, v53;
	(erf) = vrcp.f32 v31  }
0x17a: {  	v53 =	vlaneseq.u32;
	v31 =	vadd.s32 s21, v50;
	v50 =	vor.u32 v7, v58  }
0x17b: {  	(erf) = vpow2.f32 v55;
	v38 =	vor.u32 v53, v31;
	v31 =	vsel vm1, $0x3F800000, v0  }
0x17c: {  	vm1 =	vge.f32 v37, $0.0e+00;
	v55 =	vsel vm3, $0x3F800000, v0;
	(erf) = vpow2.f32 v36  }
0x17d: {  	vm3 =	vge.f32 v41, $0.0e+00;
	[tilespmem:v23+s14+$0x0] =	vst.idx.msk $0xffff, v31;
	v31 =	vadd.s32 s21, v57;
	(erf) = vpow2.f32 v49  }
0x17e: {  	v23 =	vmovc v45;
	[tilespmem:v21+s14+$0x0] =	vst.idx.msk $0xffff, v55;
	v21 =	vmov v4;
	v36 =	vor.u32 v10, v31;
	v31 =	vsel vm1, $0x3F800000, v59  }
0x17f: {  	[tilespmem:v52+s14+$0x0] =	vst.idx.msk $0xffff, v3;
	v52 =	vmul.f32 $1.500000000e+01, v47;
	vm1 =	vge.f32 v32, $0.0e+00;
	v32 =	vcvt.f32.s32 v1;
	v45 =	vpop (erf)  }
0x180: {  	[tilespmem:s19+$0x0] =	vst v44;
	v44 =	vor.u32 v53, v54;
	v54 =	vadd.s32 s21, v43;
	v43 =	vpop (erf);
	v57 =	vadd.f32 $1.000000000e+00, v45  }
0x181: {  	v7 =	vld [tilespmem:$0x1FFF0];
	v47 =	vsel vm2, $0x3F800000, v0;
	v58 =	vtrunc.f32 v52;
	v4 =	vpop (erf);
	(erf) = vrcp.f32 v60  }
0x182: {  	v51 =	vor.u32 v62, v54;
	v35 =	vcvt.f32.s32 v58;
	v49 =	vpop (erf);
	(erf) = vrcp.f32 v57  }
0x183: {  	v59 =	vsel vm4, $0x3F800000, v0;
	[tilespmem:v22+s14+$0x0] =	vst.idx.msk $0xffff, v47;
	v22 =	vmovc v5;
	vm2 =	veq.s32 v11, v32;
	v5 =	vshll.u32 v32, $0xB  }
0x184: {  	[tilespmem:v48+s14+$0x0] =	vst.idx.msk $0xffff, v3;
	v60 =	vadd.f32 $1.000000000e+00, v43;
	vm15 =	veq.s32 v15, v35;
	v57 =	vshll.u32 v35, $0xB;
	v48 =	vpop (erf)  }
0x185: {  	[tilespmem:v24+s14+$0x0] =	vst.idx.msk $0xffff, v59;
	v24 =	vadd.s32 s21, v57;
	v39 =	vsel vm6, $0x3F800000, v48;
	v1 =	vadd.f32 $1.000000000e+00, v48;
	v37 =	vpop (erf)  }
0x186: {  	s22 =	sadd.s32 $0x8, s22;
	(erf) = vrcp.f32 v60;
	v60 =	vsel vm14, $0x3F800000, v61;
	v41 =	vor.u32 v7, v24;
	v59 =	vpop (erf)  }
0x187: {  	p0 =	slt.u32 s22, $0x78;
	[tilespmem:v51+s14+$0x0] =	vst.idx.msk $0xffff, v3;
	v61 =	vadd.s32 s21, v5;
	(erf) = vrcp.f32 v1;
	v1 =	vadd.f32 $1.000000000e+00, v59  }
.Ltmp3:
0x188: {  	v11 =	vmovc v30;
	[tilespmem:s19+$0xFFFFFFD0] =	vst v33;
	v33 =	vor.u32 v10, v56;
	v58 =	vadd.f32 $1.000000000e+00, v37;
	v5 =	vmul.f32 v49, v60;
	(pc) =	sbr.rel @p0 .LBB2_9-.Ltmp3, $4  }
0x189: {  	[tilespmem:s19+$0x10] =	vst v40;
	v15 =	vmovc v42;
	v40 =	vsel vm3, $0x3F800000, v59;
	v24 =	vmovc v44;
	vm3 =	vge.f32 v34, $0.0e+00;
	v34 =	vor.u32 v9, v61  }
0x18a: {  	[tilespmem:v38+s14+$0x0] =	vst.idx.msk $0xffff, v3;
	(erf) = vrcp.f32 v58;
	v30 =	vsel vm3, $0x3F800000, v45;
	vm3 =	vge.f32 v29, $0.0e+00;
	v42 =	vpop (erf)  }
0x18b: {  	s20 =	smov.u32 s24;
	[tilespmem:s19+$0xFFFFFFC0] =	vst v46;
	v29 =	vmul.f32 v4, v2;
	v2 =	vsel vm15, $0x3F800000, v0;
	(erf) = vrcp.f32 v1;
	v1 =	vpop (erf)  }
0x18c: {  	s25 =	sadd.s32 $0x80, s25;
	s24 =	sadd.s32 $0x80, s24;
	s21 =	smov.u32 s26;
	v45 =	vmul.f32 $1.500000000e+01, v5;
	v43 =	vsel vm3, $0x3F800000, v43;
	[tilespmem:v18+s14+$0x0] =	vst.idx.msk $0xffff, v2;
	v18 =	vmovc v50;
	v44 =	vmul.f32 v1, v30  }
0x18d: {  	_ =	sdelay $0x2  }
0x18e: {  	v29 =	vmul.f32 $1.500000000e+01, v29  }
0x18f: {  	v1 =	vsel vm2, $0x3F800000, v0;
	[tilespmem:v41+s14+$0x0] =	vst.idx.msk $0xffff, v3;
	v4 =	vtrunc.f32 v45;
	v5 =	vmul.f32 $1.500000000e+01, v44;
	v2 =	vpop (erf)  }
0x190: {  	v30 =	vsel vm0, $0x3F800000, v0;
	[tilespmem:v17+s14+$0x0] =	vst.idx.msk $0xffff, v1;
	v4 =	vcvt.f32.s32 v4;
	v29 =	vtrunc.f32 v29;
	v59 =	vpop (erf)  }
0x191: {  	v1 =	vsel vm1, $0x3F800000, v37;
	[tilespmem:v13+s14+$0x0] =	vst.idx.msk $0xffff, v30;
	v5 =	vtrunc.f32 v5;
	v17 =	vmul.f32 v59, v39  }
0x192: {  	[tilespmem:s19+$0xFFFFFFF0] =	vst v35;
	v2 =	vmul.f32 v2, v43;
	v60 =	vshll.u32 v4, $0xB;
	v5 =	vcvt.f32.s32 v5  }
0x193: {  	[tilespmem:v34+s14+$0x0] =	vst.idx.msk $0xffff, v3;
	v29 =	vcvt.f32.s32 v29;
	v34 =	vadd.s32 s21, v60;
	v61 =	vmul.f32 $1.500000000e+01, v17  }
0x194: {  	[tilespmem:v36+s14+$0x0] =	vst.idx.msk $0xffff, v3;
	vm8 =	veq.s32 v27, v4;
	v17 =	vor.u32 v6, v34;
	v36 =	vshll.u32 v5, $0xB  }
0x195: {  	[tilespmem:s19+$0x30] =	vst v26;
	v39 =	vsel vm8, $0x3F800000, v0;
	v37 =	vadd.s32 s21, v36;
	v13 =	vtrunc.f32 v61  }
0x196: {  	[tilespmem:s19+$0x20] =	vst v32;
	vm10 =	veq.s32 v25, v5;
	v26 =	vor.u32 v8, v37;
	v13 =	vcvt.f32.s32 v13  }
0x197: {  	v2 =	vmul.f32 $1.500000000e+01, v2;
	v38 =	vpop (erf);
	[tilespmem:v28+s14+$0x0] =	vst.idx.msk $0xffff, v39;
	v47 =	vsel vm10, $0x3F800000, v0  }
0x198: {  	v44 =	vmul.f32 v42, v31;
	vm9 =	veq.s32 v19, v29;
	v43 =	vpop (erf);
	[tilespmem:v23+s14+$0x0] =	vst.idx.msk $0xffff, v47;
	v41 =	vshll.u32 v13, $0xB  }
0x199: {  	v2 =	vtrunc.f32 v2;
	v46 =	vmul.f32 v43, v40;
	[tilespmem:v17+s14+$0x0] =	vst.idx.msk $0xffff, v3;
	v45 =	vadd.s32 s21, v41  }
0x19a: {  	v48 =	vshll.u32 v29, $0xB;
	v2 =	vcvt.f32.s32 v2;
	[tilespmem:s20+$0xFFFFFFE0] =	vst v4;
	v4 =	vor.u32 v63, v45  }
0x19b: {  	v56 =	vsel vm9, $0x3F800000, v0;
	v1 =	vmul.f32 v38, v1;
	v50 =	vmul.f32 $1.500000000e+01, v46;
	[tilespmem:v26+s14+$0x0] =	vst.idx.msk $0xffff, v3  }
0x19c: {  	v52 =	vshll.u32 v2, $0xB;
	vm11 =	veq.s32 v20, v13;
	[tilespmem:s20+$0x0] =	vst v5;
	v5 =	vadd.s32 s21, v48  }
0x19d: {  	[tilespmem:v22+s14+$0x0] =	vst.idx.msk $0xffff, v56;
	v51 =	vsel vm11, $0x3F800000, v0;
	v17 =	vtrunc.f32 v50;
	v5 =	vor.u32 v62, v5  }
0x19e: {  	vm12 =	veq.s32 v16, v2;
	v54 =	vadd.s32 s21, v52;
	[tilespmem:v21+s14+$0x0] =	vst.idx.msk $0xffff, v51;
	v17 =	vcvt.f32.s32 v17  }
0x19f: {  	v1 =	vmul.f32 $1.500000000e+01, v1;
	v55 =	vsel vm12, $0x3F800000, v0;
	[tilespmem:v4+s14+$0x0] =	vst.idx.msk $0xffff, v3;
	v4 =	vor.u32 v53, v54  }
0x1a0: {  	v49 =	vmul.f32 $1.500000000e+01, v44;
	[tilespmem:v24+s14+$0x0] =	vst.idx.msk $0xffff, v55;
	v57 =	vshll.u32 v17, $0xB  }
0x1a1: {  	v14 =	vadd.s32 s21, v14;
	v1 =	vtrunc.f32 v1;
	v19 =	vadd.s32 s21, v57;
	[tilespmem:s20+$0x10] =	vst v13  }
0x1a2: {  	v58 =	vtrunc.f32 v49;
	v1 =	vcvt.f32.s32 v1;
	v60 =	vor.u32 v7, v19;
	[tilespmem:v5+s14+$0x0] =	vst.idx.msk $0xffff, v3  }
0x1a3: {  	v14 =	vor.u32 v9, v14;
	v59 =	vcvt.f32.s32 v58;
	[tilespmem:s20+$0xFFFFFFD0] =	vst v29  }
0x1a4: {  	vm13 =	veq.s32 v15, v17;
	v5 =	vshll.u32 v1, $0xB;
	[tilespmem:v4+s14+$0x0] =	vst.idx.msk $0xffff, v3  }
0x1a5: {  	v61 =	vshll.u32 v59, $0xB;
	v5 =	vadd.s32 s21, v5;
	[tilespmem:s20+$0xFFFFFFC0] =	vst v2;
	v2 =	vsel vm13, $0x3F800000, v0  }
0x1a6: {  	vm14 =	veq.s32 v11, v1;
	v4 =	vor.u32 v9, v5;
	v5 =	vadd.s32 s21, v61;
	[tilespmem:v18+s14+$0x0] =	vst.idx.msk $0xffff, v2  }
0x1a7: {  	vm15 =	veq.s32 v12, v59;
	v5 =	vor.u32 v10, v5;
	v2 =	vsel vm14, $0x3F800000, v0;
	[tilespmem:v60+s14+$0x0] =	vst.idx.msk $0xffff, v3  }
0x1a8: {  	[tilespmem:v14+s14+$0x0] =	vst.idx.msk $0xffff, v2;
	v2 =	vsel vm15, $0x3F800000, v0  }
0x1a9: {  	[tilespmem:v33+s14+$0x0] =	vst.idx.msk $0xffff, v2  }
0x1aa: {  	[tilespmem:s20+$0xFFFFFFF0] =	vst v17  }
0x1ab: {  	s17 =	sadd.s32 $0x1, s17;
	[tilespmem:v4+s14+$0x0] =	vst.idx.msk $0xffff, v3  }
0x1ac: {  	s18 =	sor.u32 $0x100, s18;
	p0 =	sne.s32 s17, $0x20;
	[tilespmem:v5+s14+$0x0] =	vst.idx.msk $0xffff, v3  }
.Ltmp4:
0x1ad: {  	s19 =	sadd.s32 @!p1 s18, s6;
	[tilespmem:s20+$0x20] =	vst v1;
	(pc) =	sbr.rel @p0 .LBB2_6-.Ltmp4, $4  }
0x1ae: {  	s18 =	sand.u32 $0x3FF00, s18;
	s21 =	simm.s32 @!p1 $0x800;
	[tilespmem:s20+$0x30] =	vst v59;
	s20 =	simm.s32 @!p1 $0x0  }
0x1af: {  	[tilespmem:s21], [sflag:$0x2] =	stream.linear.gather @!p1 [hbm4b:s19+s20], $0x800, $0x38;
	[tilespmem:$0x12000] =	vst v63  }
0x1b0: {  	s18 =	sadd.s32 s18, s7  }
0x1b1: {  	[hbm4b:s18+s9] =	stream.strided.scatter [tilespmem:s14], [sflag:$0x4], $0x8000, s12, s9, $0x38;
	[tilespmem:$0x12000] =	vst v63  }
0x1b2: {  	s2 =	sadd.s32 $0x1, s2  }
0x1b3: {  	_ =	swait.ge [sflag:s15], $0x8000;
	p0 =	sne.s32 s2, s8  }
.Ltmp5:
0x1b4: {  	[sflag:s15] =	ssyncset.done $0x0;
	(pc) =	sbr.rel @p0 .LBB2_1-.Ltmp5, $4  }
0x1b5: {  	[sflag:s15] =	ssyncadd.s32 $0xFFFF8000  }
0x1b6: {  	_ =	swait.ge [sflag:s16], $0x8000  }
0x1b7: {  	[sflag:s16] =	ssyncset.done $0x0  }
0x1b8: {  	v1 =	vimm.s32 $0x0;
	[sflag:s16] =	ssyncadd.s32 $0xFFFF8000  }
0x1b9: {  	_ =	sfence.sel $0x180000  }
0x1ba: {  	[bflag:$0x0] =	sbarrier.arrive $0xFFFF  }
0x1bb: {  	p0 =	sne.s32 s1, $0x0;
	_ =	strace $0x90000047  }
0x1bc: {  	s0 =	sadd.s32 @!p0 $0x100000, s0;
	[bflag:$0x2] =	sbarrier.arrive $0xFFFF  }
0x1bd: {  	[sflag:s0] =	ssyncadd.tile.s32 @!p0 $0x1;
	_ =	shalt  }
.Lfunc_end2:
_tile_overlayer_lowered:
.L_overlay_start_2:
0x1be: {  	(tag) =	ssettag $0x2  }
0x1bf: {  	s0 =	rddreg [dreg:$0x0];
	s2 =	stileid.u32  }
0x1c0: {  	s1 =	rddreg [dreg:$0x1];
	p0 =	sne.s32 s2, $0x0  }
0x1c1: {  	s3 =	rddreg [dreg:$0x2];
	[bflag:$0x3] =	sbarrier.arrive $0xFFFF;
	s2 =	simm.s32 @!p0 $0x1C05  }
0x1c2: {  	[timem:s3], [sflag:s2] =	dma.local @!p0 [hbm:s0], s1  }
0x1c3: {  	s0 =	simm.s32 @!p0 $0x5  }
0x1c4: {  	_ =	swait.ge @!p0 [sflag:s0], s1  }
0x1c5: {  	s1 =	ssub.s32 @!p0 $0x0, s1;
	[sflag:s0] =	ssyncset.done @!p0 $0x0  }
0x1c6: {  	[sflag:s0] =	ssyncadd.s32 @!p0 s1  }
0x1c7: {  	[bflag:$0x3] =	sbarrier.arrive $0xFFFF  }
0x1c8: {  	_ =	shalt  }

</sc_bundles>
